<compile_context>
chip_gen: v7x
topology: tpu7x:2x2x1
jax: 0.10.2.dev20260603
libtpu: 0.0.44.dev20260713+nightly
codegen_flags: <defaults>
</compile_context>

<pallas_src>
import functools

import jax
import jax.numpy as jnp
import numpy as np
from jax import lax
from jax.experimental import pallas as pl
from jax.experimental.pallas import tpu as pltpu
from jax.experimental.pallas import tpu_sc as plsc

N = 10000
D = 128
H = 8
C = 16
HC = H * C
OUT = 1

NW = 32
NSUB = 16
CHUNK = 128
CPT = 81
E_TOT = 320000 + N
E_PAD = NW * CPT * CHUNK
N_PAD = 10112
RPT = N_PAD // NSUB
TRASH = N

BLK = 2000
NBLK = N // BLK

_f32 = jnp.float32



def _stats_body(x_ref, s_ref, q_ref):
    i = pl.program_id(0)

    @pl.when(i == 0)
    def _():
        s_ref[...] = jnp.zeros_like(s_ref)
        q_ref[...] = jnp.zeros_like(q_ref)

    x = x_ref[...]
    s_ref[...] += jnp.sum(x, axis=0, keepdims=True)
    q_ref[...] += jnp.sum(x * x, axis=0, keepdims=True)


def _bn_mm_scores_body(x_ref, s_ref, q_ref, w_ref, g_ref, b_ref,
                       af_ref, ad_ref, eh_ref, h_ref, ss_ref, sd_ref):
    mean = s_ref[...] / N
    var = q_ref[...] / N - mean * mean
    xn = (x_ref[...] - mean) * lax.rsqrt(var + 1e-5) * g_ref[...] + b_ref[...]
    ht = jnp.dot(xn, w_ref[...], preferred_element_type=_f32)
    h_ref[...] = ht
    ss_ref[...] = jnp.dot(ht * af_ref[...], eh_ref[...],
                          preferred_element_type=_f32)
    sd_ref[...] = jnp.dot(ht * ad_ref[...], eh_ref[...],
                          preferred_element_type=_f32)


def _combine_act_stats_body(a0_ref, a1_ref, d0_ref, d1_ref, bb_ref, sp_ref,
                            act_ref, s_ref, q_ref):
    i = pl.program_id(0)

    @pl.when(i == 0)
    def _():
        s_ref[...] = jnp.zeros_like(s_ref)
        q_ref[...] = jnp.zeros_like(q_ref)

    num = a0_ref[...] + a1_ref[...]
    den = jnp.dot(d0_ref[...] + d1_ref[...], sp_ref[...],
                  preferred_element_type=_f32) + 1e-16
    g = num / den + bb_ref[...]
    act = jnp.where(g > 0, g, jnp.exp(jnp.minimum(g, 0.0)) - 1.0)
    act_ref[...] = act
    s_ref[...] += jnp.sum(act, axis=0, keepdims=True)
    q_ref[...] += jnp.sum(act * act, axis=0, keepdims=True)


def _head_body(act_ref, s_ref, q_ref, g_ref, b_ref, x_ref, ws_ref, bs_ref,
               wp1_ref, bp1_ref, wp2_ref, bp2_ref, o_ref):
    mean = s_ref[...] / N
    var = q_ref[...] / N - mean * mean
    h = (act_ref[...] - mean) * lax.rsqrt(var + 1e-5) * g_ref[...] + b_ref[...]
    h = h + jnp.dot(x_ref[...], ws_ref[...], preferred_element_type=_f32)
    h = h + bs_ref[...]
    r = jnp.dot(h, wp1_ref[...], preferred_element_type=_f32) + bp1_ref[...]
    r = jnp.maximum(r, 0.0)
    o_ref[...] = jnp.dot(r, wp2_ref[...], preferred_element_type=_f32) + bp2_ref[...]


def _row_spec(w):
    return pl.BlockSpec((BLK, w), lambda i: (i, 0))


def _full_spec(r, w):
    return pl.BlockSpec((r, w), lambda i: (0, 0))


def _stats(x):
    return pl.pallas_call(
        _stats_body,
        grid=(NBLK,),
        in_specs=[_row_spec(D)],
        out_specs=[_full_spec(1, D), _full_spec(1, D)],
        out_shape=[jax.ShapeDtypeStruct((1, D), _f32)] * 2,
    )(x)


def _bn_mm_scores(x, s, q, w, g, b, af, ad, eh):
    return pl.pallas_call(
        _bn_mm_scores_body,
        grid=(NBLK,),
        in_specs=[_row_spec(D), _full_spec(1, D), _full_spec(1, D),
                  _full_spec(D, HC), _full_spec(1, D), _full_spec(1, D),
                  _full_spec(1, HC), _full_spec(1, HC), _full_spec(HC, 16)],
        out_specs=[_row_spec(HC), _row_spec(16), _row_spec(16)],
        out_shape=[jax.ShapeDtypeStruct((N, HC), _f32),
                   jax.ShapeDtypeStruct((N, 16), _f32),
                   jax.ShapeDtypeStruct((N, 16), _f32)],
    )(x, s, q, w, g, b, af, ad, eh)


def _combine_act_stats(acc, den, bb, sp):
    return pl.pallas_call(
        _combine_act_stats_body,
        grid=(NBLK,),
        in_specs=[_row_spec(HC), _row_spec(HC), _row_spec(16), _row_spec(16),
                  _full_spec(1, HC), _full_spec(16, HC)],
        out_specs=[_row_spec(HC), _full_spec(1, HC), _full_spec(1, HC)],
        out_shape=[jax.ShapeDtypeStruct((N, HC), _f32),
                   jax.ShapeDtypeStruct((1, HC), _f32),
                   jax.ShapeDtypeStruct((1, HC), _f32)],
    )(acc[0, :N], acc[1, :N], den[0, :N], den[1, :N], bb, sp)


def _head(act, s, q, g, b, x, ws, bs, wp1, bp1, wp2, bp2):
    return pl.pallas_call(
        _head_body,
        grid=(NBLK,),
        in_specs=[_row_spec(HC), _full_spec(1, HC), _full_spec(1, HC),
                  _full_spec(1, HC), _full_spec(1, HC), _row_spec(D),
                  _full_spec(D, HC), _full_spec(1, HC),
                  _full_spec(HC, C), _full_spec(1, C),
                  _full_spec(C, OUT), _full_spec(1, OUT)],
        out_specs=[_row_spec(OUT)],
        out_shape=[jax.ShapeDtypeStruct((N, OUT), _f32)],
    )(act, s, q, g, b, x, ws, bs, wp1, bp1, wp2, bp2)



def _sc_edge_body(htab, ssrc, sdst, sidx, didx, z128, z16,
                  acc_out, den_out,
                  acc_sh, den_sh, sidx_c, didx_c,
                  rows_v, gs_v, gd_v, e_v):
    c = lax.axis_index("c")
    s = lax.axis_index("s")
    wid = c * NSUB + s

    pltpu.sync_copy(z128.at[pl.ds(s * RPT, RPT)], acc_sh.at[pl.ds(s * RPT, RPT)])
    pltpu.sync_copy(z16.at[pl.ds(s * RPT, RPT)], den_sh.at[pl.ds(s * RPT, RPT)])

    plsc.subcore_barrier()

    lane = lax.iota(jnp.int32, 16)
    head_mask = lane < 8

    def chunk_body(g, carry):
        pltpu.sync_copy(sidx.at[wid, g], sidx_c)
        pltpu.sync_copy(didx.at[wid, g], didx_c)
        pltpu.sync_copy(htab.at[sidx_c], rows_v)
        pltpu.sync_copy(ssrc.at[sidx_c], gs_v)
        pltpu.sync_copy(sdst.at[didx_c], gd_v)

        def edge_body(k, carry2):
            a = gs_v[k, :] + gd_v[k, :]
            a = jnp.where(a >= 0, a, a * jnp.float32(0.2))
            e = jnp.where(head_mask, jnp.exp(a), jnp.float32(0.0))
            e_v[k, :] = e
            for j in range(H):
                rows_v[k, pl.ds(j * C, C)] = rows_v[k, pl.ds(j * C, C)] * e[j]
            return carry2

        lax.fori_loop(0, CHUNK, edge_body, 0, unroll=False)

        pltpu.sync_copy(rows_v, acc_sh.at[didx_c], add=True)
        pltpu.sync_copy(e_v, den_sh.at[didx_c], add=True)
        return carry

    lax.fori_loop(0, CPT, chunk_body, 0, unroll=False)

    plsc.subcore_barrier()

    pltpu.sync_copy(acc_sh.at[pl.ds(s * RPT, RPT)],
                    acc_out.at[c, pl.ds(s * RPT, RPT)])
    pltpu.sync_copy(den_sh.at[pl.ds(s * RPT, RPT)],
                    den_out.at[c, pl.ds(s * RPT, RPT)])


def _sc_edge(htab, ssrc, sdst, sidx, didx, z128, z16):
    fn = pl.kernel(
        _sc_edge_body,
        out_type=(jax.ShapeDtypeStruct((2, N_PAD, HC), _f32),
                  jax.ShapeDtypeStruct((2, N_PAD, 16), _f32)),
        mesh=plsc.VectorSubcoreMesh(core_axis_name="c", subcore_axis_name="s"),
        compiler_params=pltpu.CompilerParams(use_tc_tiling_on_sc=False),
        scratch_types=(
            pltpu.VMEM_SHARED((N_PAD, HC), _f32),
            pltpu.VMEM_SHARED((N_PAD, 16), _f32),
            pltpu.VMEM((CHUNK,), jnp.int32),
            pltpu.VMEM((CHUNK,), jnp.int32),
            pltpu.VMEM((CHUNK, HC), _f32),
            pltpu.VMEM((CHUNK, 16), _f32),
            pltpu.VMEM((CHUNK, 16), _f32),
            pltpu.VMEM((CHUNK, 16), _f32),
        ),
    )
    return fn(htab, ssrc, sdst, sidx, didx, z128, z16)



def _head_pool():
    m = np.zeros((HC, 16), np.float32)
    for h in range(H):
        m[h * C:(h + 1) * C, h] = 1.0
    return jnp.asarray(m)


def _head_spread():
    m = np.zeros((16, HC), np.float32)
    for h in range(H):
        m[h, h * C:(h + 1) * C] = 1.0
    return jnp.asarray(m)


def kernel(x, edge_index, g1, b1, W1, asrc1, adst1, bb1, g2, b2, W2, asrc2,
           adst2, bb2, g3, b3, Ws, bs, Wp1, bp1, Wp2, bp2):
    eh = _head_pool()
    sp = _head_spread()

    loop = jnp.arange(N, dtype=edge_index.dtype)
    src = jnp.concatenate([edge_index[0], loop,
                           jnp.zeros((E_PAD - E_TOT,), edge_index.dtype)])
    dst = jnp.concatenate([edge_index[1], loop,
                           jnp.full((E_PAD - E_TOT,), TRASH, edge_index.dtype)])
    sidx = src.reshape(NW, CPT, CHUNK)
    didx = dst.reshape(NW, CPT, CHUNK)

    z128 = jnp.zeros((N_PAD, HC), _f32)
    z16 = jnp.zeros((N_PAD, 16), _f32)
    spad = jnp.full((N_PAD - N, 16), -1e30, _f32)

    def gat_layer(feat, s, q, g, b, W, af, ad):
        h1, ss, sd = _bn_mm_scores(feat, s, q, W, g, b, af, ad, eh)
        sd_full = jnp.concatenate([sd, spad], axis=0)
        return _sc_edge(h1, ss, sd_full, sidx, didx, z128, z16)

    s1, q1 = _stats(x)
    acc1, den1 = gat_layer(x, s1, q1, g1.reshape(1, D), b1.reshape(1, D), W1,
                           asrc1.reshape(1, HC), adst1.reshape(1, HC))
    act1, s2, q2 = _combine_act_stats(acc1, den1, bb1.reshape(1, HC), sp)

    acc2, den2 = gat_layer(act1, s2, q2, g2.reshape(1, HC), b2.reshape(1, HC),
                           W2, asrc2.reshape(1, HC), adst2.reshape(1, HC))
    act2, s3, q3 = _combine_act_stats(acc2, den2, bb2.reshape(1, HC), sp)

    out = _head(act2, s3, q3, g3.reshape(1, HC), b3.reshape(1, HC), x, Ws,
                bs.reshape(1, HC), Wp1, bp1.reshape(1, C), Wp2,
                bp2.reshape(1, OUT))
    return out[0]

# --- scband reference (transcript-rebuilt; emitter-appended) ---
"""Pipeline reference for scband-enhanced-portfolio-gat-77661598646442 (READ-ONLY COPY).

The authoritative reference and input builder live on the scoring server;
editing this copy changes nothing except your own understanding.
"""

import jax, jax.numpy as jnp
import numpy as np

N = 10000
E = 320000
D = 128
H = 8
C = 16
OUT = 1


def _bn(x, g, b):
    m = x.mean(0)
    v = x.var(0)
    return (x - m) / jnp.sqrt(v + 1e-5) * g + b


def _seg_softmax(a, seg, n):
    m = jax.ops.segment_max(a, seg, num_segments=n)
    e = jnp.exp(a - m[seg])
    s = jax.ops.segment_sum(e, seg, num_segments=n)
    return e / (s[seg] + 1e-16)


def _gat(x, W, asrc, adst, bias, src, dst, n):
    h = (x @ W).reshape(n, H, C)
    al = (h * asrc).sum(-1)[src] + (h * adst).sum(-1)[dst]
    al = jax.nn.leaky_relu(al, 0.2)
    al = _seg_softmax(al, dst, n)
    out = jax.ops.segment_sum(h[src] * al[..., None], dst, num_segments=n)
    return out.reshape(n, H * C) + bias


def setup_inputs(seed: int = 0) -> dict:
    key = jax.random.key(seed)
    ks = jax.random.split(key, 12)
    x = jax.random.normal(ks[0], (N, D), dtype=jnp.float32)
    edge_index = jax.random.randint(ks[1], (2, E), 0, N, dtype=jnp.int32)
    inp = {
        "x": x,
        "edge_index": edge_index,
        "g1": jnp.ones((D,), jnp.float32),
        "b1": jnp.zeros((D,), jnp.float32),
        "W1": jax.random.normal(ks[2], (D, H * C), dtype=jnp.float32) * 0.1,
        "asrc1": jax.random.normal(ks[3], (H, C), dtype=jnp.float32) * 0.1,
        "adst1": jax.random.normal(ks[4], (H, C), dtype=jnp.float32) * 0.1,
        "bb1": jnp.zeros((H * C,), jnp.float32),
        "g2": jnp.ones((H * C,), jnp.float32),
        "b2": jnp.zeros((H * C,), jnp.float32),
        "W2": jax.random.normal(ks[5], (H * C, H * C), dtype=jnp.float32) * 0.1,
        "asrc2": jax.random.normal(ks[6], (H, C), dtype=jnp.float32) * 0.1,
        "adst2": jax.random.normal(ks[7], (H, C), dtype=jnp.float32) * 0.1,
        "bb2": jnp.zeros((H * C,), jnp.float32),
        "g3": jnp.ones((H * C,), jnp.float32),
        "b3": jnp.zeros((H * C,), jnp.float32),
        "Ws": jax.random.normal(ks[8], (D, H * C), dtype=jnp.float32) * 0.1,
        "bs": jnp.zeros((H * C,), jnp.float32),
        "Wp1": jax.random.normal(ks[9], (H * C, C), dtype=jnp.float32) * 0.1,
        "bp1": jnp.zeros((C,), jnp.float32),
        "Wp2": jax.random.normal(ks[10], (C, OUT), dtype=jnp.float32) * 0.1,
        "bp2": jnp.zeros((OUT,), jnp.float32),
    }
    return inp


def reference(x, edge_index, g1, b1, W1, asrc1, adst1, bb1, g2, b2, W2, asrc2, adst2, bb2, g3, b3, Ws, bs, Wp1, bp1, Wp2, bp2):
    loop = jnp.arange(N, dtype=edge_index.dtype)
    src = jnp.concatenate([edge_index[0], loop])
    dst = jnp.concatenate([edge_index[1], loop])
    x_in = x
    h = _bn(x, g1, b1)
    h = jax.nn.elu(_gat(h, W1, asrc1, adst1, bb1, src, dst, N))
    h = _bn(h, g2, b2)
    h = jax.nn.elu(_gat(h, W2, asrc2, adst2, bb2, src, dst, N))
    h = _bn(h, g3, b3)
    h = h + x_in @ Ws + bs
    h = jax.nn.relu(h @ Wp1 + bp1)
    return h @ Wp2 + bp2

if __name__ == "__main__":
    import jax
    _d = setup_inputs()
    print(jax.jit(kernel)(*tuple(_d.values())))

</pallas_src>

<mosaic_0001>
#map = affine_map<(d0, d1) -> (0, 0)>
#map1 = affine_map<(d0, d1) -> (0, 0, 0)>
module attributes {stable_mosaic.version = 14 : i64} {
  func.func @_sc_edge_body(%arg0: i32, %arg1: i32, %arg2: memref<10000x128xf32, #tpu.memory_space<hbm>>, %arg3: memref<10000x16xf32, #tpu.memory_space<hbm>>, %arg4: memref<10112x16xf32, #tpu.memory_space<hbm>>, %arg5: memref<32x81x128xi32, #tpu.memory_space<hbm>>, %arg6: memref<32x81x128xi32, #tpu.memory_space<hbm>>, %arg7: memref<10112x128xf32, #tpu.memory_space<hbm>>, %arg8: memref<10112x16xf32, #tpu.memory_space<hbm>>, %arg9: memref<2x10112x128xf32, #tpu.memory_space<hbm>>, %arg10: memref<2x10112x16xf32, #tpu.memory_space<hbm>>, %arg11: memref<10112x128xf32, #tpu.memory_space<vmem_shared>>, %arg12: memref<10112x16xf32, #tpu.memory_space<vmem_shared>>, %arg13: memref<128xi32, #tpu.memory_space<vmem>>, %arg14: memref<128xi32, #tpu.memory_space<vmem>>, %arg15: memref<128x128xf32, #tpu.memory_space<vmem>>, %arg16: memref<128x16xf32, #tpu.memory_space<vmem>>, %arg17: memref<128x16xf32, #tpu.memory_space<vmem>>, %arg18: memref<128x16xf32, #tpu.memory_space<vmem>>) attributes {dimension_semantics = [#tpu.dimension_semantics<core_parallel>, #tpu.dimension_semantics<subcore_parallel>], iteration_bounds = array<i64: 2, 16>, scalar_prefetch = 0 : i64, scratch_operands = 8 : i64, tpu.core_type = #tpu.core_type<sc_vector_subcore>, window_params = [{transform_indices = #map}, {transform_indices = #map}, {transform_indices = #map}, {transform_indices = #map1}, {transform_indices = #map1}, {transform_indices = #map}, {transform_indices = #map}, {transform_indices = #map1}, {transform_indices = #map1}]} {
    %mul3A = arith.constant 16 : i32
    %mul3A_0 = arith.muli %arg0, %mul3A : i32
    %add3A = arith.addi %mul3A_0, %arg1 : i32
    %mul3A_1 = arith.constant 632 : i32
    %mul3A_2 = arith.muli %arg1, %mul3A_1 : i32
    %mul3A_3 = arith.constant 632 : i32
    %mul3A_4 = arith.muli %arg1, %mul3A_3 : i32
    "tpu.region"() ({
      %run_scoped3A = tpu.sem_alloc : memref<!tpu.dma_semaphore, #tpu.memory_space<semaphore_mem>>
      %dma_start3A = arith.constant 0 : i32
      %dma_start3A_25 = tpu.memref_slice %arg11[%mul3A_4, %dma_start3A] : memref<10112x128xf32, #tpu.memory_space<vmem_shared>> -> memref<632x128xf32, #tpu.memory_space<vmem_shared>>
      %dma_start3A_26 = arith.constant 0 : i32
      %dma_start3A_27 = tpu.memref_slice %arg7[%mul3A_2, %dma_start3A_26] : memref<10112x128xf32, #tpu.memory_space<hbm>> -> memref<632x128xf32, #tpu.memory_space<hbm>>
      tpu.enqueue_dma source(%dma_start3A_27 : memref<632x128xf32, #tpu.memory_space<hbm>>) target(%dma_start3A_25 : memref<632x128xf32, #tpu.memory_space<vmem_shared>>) target_semaphore(%run_scoped3A : memref<!tpu.dma_semaphore, #tpu.memory_space<semaphore_mem>>)
      %dma_wait3A = arith.constant 0 : i32
      %dma_wait3A_28 = tpu.memref_slice %arg11[%mul3A_4, %dma_wait3A] : memref<10112x128xf32, #tpu.memory_space<vmem_shared>> -> memref<632x128xf32, #tpu.memory_space<vmem_shared>>
      %dma_wait3A_29 = arith.constant 0 : i32
      %dma_wait3A_30 = tpu.memref_slice %arg7[%mul3A_2, %dma_wait3A_29] : memref<10112x128xf32, #tpu.memory_space<hbm>> -> memref<632x128xf32, #tpu.memory_space<hbm>>
      tpu.wait_dma2 semaphore(%run_scoped3A : memref<!tpu.dma_semaphore, #tpu.memory_space<semaphore_mem>>) src(%dma_wait3A_30 : memref<632x128xf32, #tpu.memory_space<hbm>>) dst(%dma_wait3A_28 : memref<632x128xf32, #tpu.memory_space<vmem_shared>>)
      tpu.yield
    }) : () -> ()
    %mul3A_5 = arith.constant 632 : i32
    %mul3A_6 = arith.muli %arg1, %mul3A_5 : i32
    %mul3A_7 = arith.constant 632 : i32
    %mul3A_8 = arith.muli %arg1, %mul3A_7 : i32
    "tpu.region"() ({
      %run_scoped3A = tpu.sem_alloc : memref<!tpu.dma_semaphore, #tpu.memory_space<semaphore_mem>>
      %dma_start3A = arith.constant 0 : i32
      %dma_start3A_25 = tpu.memref_slice %arg12[%mul3A_8, %dma_start3A] : memref<10112x16xf32, #tpu.memory_space<vmem_shared>> -> memref<632x16xf32, #tpu.memory_space<vmem_shared>>
      %dma_start3A_26 = arith.constant 0 : i32
      %dma_start3A_27 = tpu.memref_slice %arg8[%mul3A_6, %dma_start3A_26] : memref<10112x16xf32, #tpu.memory_space<hbm>> -> memref<632x16xf32, #tpu.memory_space<hbm>>
      tpu.enqueue_dma source(%dma_start3A_27 : memref<632x16xf32, #tpu.memory_space<hbm>>) target(%dma_start3A_25 : memref<632x16xf32, #tpu.memory_space<vmem_shared>>) target_semaphore(%run_scoped3A : memref<!tpu.dma_semaphore, #tpu.memory_space<semaphore_mem>>)
      %dma_wait3A = arith.constant 0 : i32
      %dma_wait3A_28 = tpu.memref_slice %arg12[%mul3A_8, %dma_wait3A] : memref<10112x16xf32, #tpu.memory_space<vmem_shared>> -> memref<632x16xf32, #tpu.memory_space<vmem_shared>>
      %dma_wait3A_29 = arith.constant 0 : i32
      %dma_wait3A_30 = tpu.memref_slice %arg8[%mul3A_6, %dma_wait3A_29] : memref<10112x16xf32, #tpu.memory_space<hbm>> -> memref<632x16xf32, #tpu.memory_space<hbm>>
      tpu.wait_dma2 semaphore(%run_scoped3A : memref<!tpu.dma_semaphore, #tpu.memory_space<semaphore_mem>>) src(%dma_wait3A_30 : memref<632x16xf32, #tpu.memory_space<hbm>>) dst(%dma_wait3A_28 : memref<632x16xf32, #tpu.memory_space<vmem_shared>>)
      tpu.yield
    }) : () -> ()
    %barrier3A = arith.constant 0 : index
    tpu.barrier barrier_id(%barrier3A)
    %iota3A = tpu.iota {dimensions = array<i32: 0>} : vector<16xi32>
    %lt3A = arith.constant 8 : i32
    %lt3A_9 = vector.broadcast %lt3A : i32 to vector<16xi32>
    %lt3A_10 = arith.cmpi slt, %iota3A, %lt3A_9 : vector<16xi32>
    %scan3A = arith.constant 0 : i32
    %scan3A_11 = arith.constant 0 : i32
    %scan3A_12 = arith.constant 81 : i32
    %scan3A_13 = arith.addi %scan3A_11, %scan3A_12 : i32
    %scan3A_14 = arith.constant 1 : i32
    scf.for %scan3A_25 = %scan3A_11 to %scan3A_13 step %scan3A_14  : i32 {
      "tpu.region"() ({
        %run_scoped3A = tpu.sem_alloc : memref<!tpu.dma_semaphore, #tpu.memory_space<semaphore_mem>>
        %dma_start3A = arith.constant 0 : i32
        %dma_start3A_32 = tpu.memref_slice %arg5[%add3A, %scan3A_25, %dma_start3A] : memref<32x81x128xi32, #tpu.memory_space<hbm>> -> memref<1x1x128xi32, #tpu.memory_space<hbm>>
        %dma_start3A_33 = tpu.memref_squeeze %dma_start3A_32 : memref<1x1x128xi32, #tpu.memory_space<hbm>> -> memref<128xi32, #tpu.memory_space<hbm>>
        %dma_start3A_34 = arith.constant 0 : i32
        %dma_start3A_35 = tpu.memref_slice %arg5[%add3A, %scan3A_25, %dma_start3A_34] : memref<32x81x128xi32, #tpu.memory_space<hbm>> -> memref<1x1x128xi32, #tpu.memory_space<hbm>>
        %dma_start3A_36 = tpu.memref_squeeze %dma_start3A_35 : memref<1x1x128xi32, #tpu.memory_space<hbm>> -> memref<128xi32, #tpu.memory_space<hbm>>
        tpu.enqueue_dma source(%dma_start3A_36 : memref<128xi32, #tpu.memory_space<hbm>>) target(%arg13 : memref<128xi32, #tpu.memory_space<vmem>>) target_semaphore(%run_scoped3A : memref<!tpu.dma_semaphore, #tpu.memory_space<semaphore_mem>>)
        %dma_wait3A = arith.constant 0 : i32
        %dma_wait3A_37 = tpu.memref_slice %arg5[%add3A, %scan3A_25, %dma_wait3A] : memref<32x81x128xi32, #tpu.memory_space<hbm>> -> memref<1x1x128xi32, #tpu.memory_space<hbm>>
        %dma_wait3A_38 = tpu.memref_squeeze %dma_wait3A_37 : memref<1x1x128xi32, #tpu.memory_space<hbm>> -> memref<128xi32, #tpu.memory_space<hbm>>
        %dma_wait3A_39 = arith.constant 0 : i32
        %dma_wait3A_40 = tpu.memref_slice %arg5[%add3A, %scan3A_25, %dma_wait3A_39] : memref<32x81x128xi32, #tpu.memory_space<hbm>> -> memref<1x1x128xi32, #tpu.memory_space<hbm>>
        %dma_wait3A_41 = tpu.memref_squeeze %dma_wait3A_40 : memref<1x1x128xi32, #tpu.memory_space<hbm>> -> memref<128xi32, #tpu.memory_space<hbm>>
        tpu.wait_dma2 semaphore(%run_scoped3A : memref<!tpu.dma_semaphore, #tpu.memory_space<semaphore_mem>>) src(%dma_wait3A_41 : memref<128xi32, #tpu.memory_space<hbm>>) dst(%arg13 : memref<128xi32, #tpu.memory_space<vmem>>)
        tpu.yield
      }) : () -> ()
      "tpu.region"() ({
        %run_scoped3A = tpu.sem_alloc : memref<!tpu.dma_semaphore, #tpu.memory_space<semaphore_mem>>
        %dma_start3A = arith.constant 0 : i32
        %dma_start3A_32 = tpu.memref_slice %arg6[%add3A, %scan3A_25, %dma_start3A] : memref<32x81x128xi32, #tpu.memory_space<hbm>> -> memref<1x1x128xi32, #tpu.memory_space<hbm>>
        %dma_start3A_33 = tpu.memref_squeeze %dma_start3A_32 : memref<1x1x128xi32, #tpu.memory_space<hbm>> -> memref<128xi32, #tpu.memory_space<hbm>>
        %dma_start3A_34 = arith.constant 0 : i32
        %dma_start3A_35 = tpu.memref_slice %arg6[%add3A, %scan3A_25, %dma_start3A_34] : memref<32x81x128xi32, #tpu.memory_space<hbm>> -> memref<1x1x128xi32, #tpu.memory_space<hbm>>
        %dma_start3A_36 = tpu.memref_squeeze %dma_start3A_35 : memref<1x1x128xi32, #tpu.memory_space<hbm>> -> memref<128xi32, #tpu.memory_space<hbm>>
        tpu.enqueue_dma source(%dma_start3A_36 : memref<128xi32, #tpu.memory_space<hbm>>) target(%arg14 : memref<128xi32, #tpu.memory_space<vmem>>) target_semaphore(%run_scoped3A : memref<!tpu.dma_semaphore, #tpu.memory_space<semaphore_mem>>)
        %dma_wait3A = arith.constant 0 : i32
        %dma_wait3A_37 = tpu.memref_slice %arg6[%add3A, %scan3A_25, %dma_wait3A] : memref<32x81x128xi32, #tpu.memory_space<hbm>> -> memref<1x1x128xi32, #tpu.memory_space<hbm>>
        %dma_wait3A_38 = tpu.memref_squeeze %dma_wait3A_37 : memref<1x1x128xi32, #tpu.memory_space<hbm>> -> memref<128xi32, #tpu.memory_space<hbm>>
        %dma_wait3A_39 = arith.constant 0 : i32
        %dma_wait3A_40 = tpu.memref_slice %arg6[%add3A, %scan3A_25, %dma_wait3A_39] : memref<32x81x128xi32, #tpu.memory_space<hbm>> -> memref<1x1x128xi32, #tpu.memory_space<hbm>>
        %dma_wait3A_41 = tpu.memref_squeeze %dma_wait3A_40 : memref<1x1x128xi32, #tpu.memory_space<hbm>> -> memref<128xi32, #tpu.memory_space<hbm>>
        tpu.wait_dma2 semaphore(%run_scoped3A : memref<!tpu.dma_semaphore, #tpu.memory_space<semaphore_mem>>) src(%dma_wait3A_41 : memref<128xi32, #tpu.memory_space<hbm>>) dst(%arg14 : memref<128xi32, #tpu.memory_space<vmem>>)
        tpu.yield
      }) : () -> ()
      "tpu.region"() ({
        %run_scoped3A = tpu.sem_alloc : memref<!tpu.dma_semaphore, #tpu.memory_space<semaphore_mem>>
        %dma_start3A = arith.constant 0 : i32
        %dma_start3A_32 = arith.constant 0 : i32
        %dma_start3A_33 = tpu.memref_slice %arg2[%dma_start3A, %dma_start3A_32] : memref<10000x128xf32, #tpu.memory_space<hbm>> -> memref<10000x128xf32, #tpu.memory_space<hbm>>
        tpu.enqueue_indirect_dma source(%dma_start3A_33 : memref<10000x128xf32, #tpu.memory_space<hbm>>) target(%arg15 : memref<128x128xf32, #tpu.memory_space<vmem>>) offsets(%arg13 : memref<128xi32, #tpu.memory_space<vmem>>) semaphore(%run_scoped3A : memref<!tpu.dma_semaphore, #tpu.memory_space<semaphore_mem>>)
        %dma_wait3A = arith.constant 0 : i32
        %dma_wait3A_34 = arith.constant 0 : i32
        %dma_wait3A_35 = tpu.memref_slice %arg2[%dma_wait3A, %dma_wait3A_34] : memref<10000x128xf32, #tpu.memory_space<hbm>> -> memref<10000x128xf32, #tpu.memory_space<hbm>>
        tpu.wait_indirect_dma semaphore(%run_scoped3A : memref<!tpu.dma_semaphore, #tpu.memory_space<semaphore_mem>>) src(%dma_wait3A_35 : memref<10000x128xf32, #tpu.memory_space<hbm>>) dst(%arg15 : memref<128x128xf32, #tpu.memory_space<vmem>>)
        tpu.yield
      }) : () -> ()
      "tpu.region"() ({
        %run_scoped3A = tpu.sem_alloc : memref<!tpu.dma_semaphore, #tpu.memory_space<semaphore_mem>>
        %dma_start3A = arith.constant 0 : i32
        %dma_start3A_32 = arith.constant 0 : i32
        %dma_start3A_33 = tpu.memref_slice %arg3[%dma_start3A, %dma_start3A_32] : memref<10000x16xf32, #tpu.memory_space<hbm>> -> memref<10000x16xf32, #tpu.memory_space<hbm>>
        tpu.enqueue_indirect_dma source(%dma_start3A_33 : memref<10000x16xf32, #tpu.memory_space<hbm>>) target(%arg16 : memref<128x16xf32, #tpu.memory_space<vmem>>) offsets(%arg13 : memref<128xi32, #tpu.memory_space<vmem>>) semaphore(%run_scoped3A : memref<!tpu.dma_semaphore, #tpu.memory_space<semaphore_mem>>)
        %dma_wait3A = arith.constant 0 : i32
        %dma_wait3A_34 = arith.constant 0 : i32
        %dma_wait3A_35 = tpu.memref_slice %arg3[%dma_wait3A, %dma_wait3A_34] : memref<10000x16xf32, #tpu.memory_space<hbm>> -> memref<10000x16xf32, #tpu.memory_space<hbm>>
        tpu.wait_indirect_dma semaphore(%run_scoped3A : memref<!tpu.dma_semaphore, #tpu.memory_space<semaphore_mem>>) src(%dma_wait3A_35 : memref<10000x16xf32, #tpu.memory_space<hbm>>) dst(%arg16 : memref<128x16xf32, #tpu.memory_space<vmem>>)
        tpu.yield
      }) : () -> ()
      "tpu.region"() ({
        %run_scoped3A = tpu.sem_alloc : memref<!tpu.dma_semaphore, #tpu.memory_space<semaphore_mem>>
        %dma_start3A = arith.constant 0 : i32
        %dma_start3A_32 = arith.constant 0 : i32
        %dma_start3A_33 = tpu.memref_slice %arg4[%dma_start3A, %dma_start3A_32] : memref<10112x16xf32, #tpu.memory_space<hbm>> -> memref<10112x16xf32, #tpu.memory_space<hbm>>
        tpu.enqueue_indirect_dma source(%dma_start3A_33 : memref<10112x16xf32, #tpu.memory_space<hbm>>) target(%arg17 : memref<128x16xf32, #tpu.memory_space<vmem>>) offsets(%arg14 : memref<128xi32, #tpu.memory_space<vmem>>) semaphore(%run_scoped3A : memref<!tpu.dma_semaphore, #tpu.memory_space<semaphore_mem>>)
        %dma_wait3A = arith.constant 0 : i32
        %dma_wait3A_34 = arith.constant 0 : i32
        %dma_wait3A_35 = tpu.memref_slice %arg4[%dma_wait3A, %dma_wait3A_34] : memref<10112x16xf32, #tpu.memory_space<hbm>> -> memref<10112x16xf32, #tpu.memory_space<hbm>>
        tpu.wait_indirect_dma semaphore(%run_scoped3A : memref<!tpu.dma_semaphore, #tpu.memory_space<semaphore_mem>>) src(%dma_wait3A_35 : memref<10112x16xf32, #tpu.memory_space<hbm>>) dst(%arg17 : memref<128x16xf32, #tpu.memory_space<vmem>>)
        tpu.yield
      }) : () -> ()
      %scan3A_26 = arith.constant 0 : i32
      %scan3A_27 = arith.constant 0 : i32
      %scan3A_28 = arith.constant 128 : i32
      %scan3A_29 = arith.addi %scan3A_27, %scan3A_28 : i32
      %scan3A_30 = arith.constant 1 : i32
      scf.for %scan3A_32 = %scan3A_27 to %scan3A_29 step %scan3A_30  : i32 {
        %get3A = arith.index_cast %scan3A_32 : i32 to index
        %get3A_33 = arith.constant 0 : index
        %get3A_34 = tpu.vector_load %arg16[%get3A, %get3A_33] {strides = array<i32>} : memref<128x16xf32, #tpu.memory_space<vmem>>, vector<1x16xf32>,
        %get3A_35 = vector.shape_cast %get3A_34 : vector<1x16xf32> to vector<16xf32>
        %get3A_36 = arith.index_cast %scan3A_32 : i32 to index
        %get3A_37 = arith.constant 0 : index
        %get3A_38 = tpu.vector_load %arg17[%get3A_36, %get3A_37] {strides = array<i32>} : memref<128x16xf32, #tpu.memory_space<vmem>>, vector<1x16xf32>,
        %get3A_39 = vector.shape_cast %get3A_38 : vector<1x16xf32> to vector<16xf32>
        %add3A_40 = arith.addf %get3A_35, %get3A_39 : vector<16xf32>
        %ge3A = arith.constant 0.000000e+00 : f32
        %ge3A_41 = vector.broadcast %ge3A : f32 to vector<16xf32>
        %ge3A_42 = arith.cmpf oge, %add3A_40, %ge3A_41 : vector<16xf32>
        %mul3A_43 = arith.constant 2.000000e-01 : f32
        %mul3A_44 = vector.broadcast %mul3A_43 : f32 to vector<16xf32>
        %mul3A_45 = arith.mulf %add3A_40, %mul3A_44 : vector<16xf32>
        %select_n3A = arith.select %ge3A_42, %add3A_40, %mul3A_45 : vector<16xi1>, vector<16xf32>
        %exp3A = math.exp %select_n3A : vector<16xf32>
        %jit3A = arith.constant 0.000000e+00 : f32
        %broadcast_in_dim3A = vector.broadcast %jit3A : f32 to vector<16xf32>
        %select_n3A_46 = arith.select %lt3A_10, %exp3A, %broadcast_in_dim3A : vector<16xi1>, vector<16xf32>
        %swap3A = arith.index_cast %scan3A_32 : i32 to index
        %swap3A_47 = arith.constant 0 : index
        %swap3A_48 = tpu.vector_load %arg18[%swap3A, %swap3A_47] {strides = array<i32>} : memref<128x16xf32, #tpu.memory_space<vmem>>, vector<1x16xf32>,
        %swap3A_49 = vector.shape_cast %swap3A_48 : vector<1x16xf32> to vector<16xf32>
        %swap3A_50 = vector.shape_cast %select_n3A_46 : vector<16xf32> to vector<1x16xf32>
        tpu.vector_store %arg18[%swap3A, %swap3A_47], %swap3A_50 {strides = array<i32>} : memref<128x16xf32, #tpu.memory_space<vmem>>, vector<1x16xf32>,
        %get3A_51 = arith.index_cast %scan3A_32 : i32 to index
        %get3A_52 = arith.constant 0 : index
        %get3A_53 = tpu.vector_load %arg15[%get3A_51, %get3A_52] {strides = array<i32>} : memref<128x128xf32, #tpu.memory_space<vmem>>, vector<1x16xf32>,
        %get3A_54 = vector.shape_cast %get3A_53 : vector<1x16xf32> to vector<16xf32>
        %slice3A = vector.extract_strided_slice %select_n3A_46 {offsets = [0], sizes = [1], strides = [1]} : vector<16xf32> to vector<1xf32>
        %squeeze3A = vector.extract %slice3A[0] : f32 from vector<1xf32>
        %mul3A_55 = vector.broadcast %squeeze3A : f32 to vector<16xf32>
        %mul3A_56 = arith.mulf %get3A_54, %mul3A_55 : vector<16xf32>
        %swap3A_57 = arith.index_cast %scan3A_32 : i32 to index
        %swap3A_58 = arith.constant 0 : index
        %swap3A_59 = tpu.vector_load %arg15[%swap3A_57, %swap3A_58] {strides = array<i32>} : memref<128x128xf32, #tpu.memory_space<vmem>>, vector<1x16xf32>,
        %swap3A_60 = vector.shape_cast %swap3A_59 : vector<1x16xf32> to vector<16xf32>
        %swap3A_61 = vector.shape_cast %mul3A_56 : vector<16xf32> to vector<1x16xf32>
        tpu.vector_store %arg15[%swap3A_57, %swap3A_58], %swap3A_61 {strides = array<i32>} : memref<128x128xf32, #tpu.memory_space<vmem>>, vector<1x16xf32>,
        %get3A_62 = arith.index_cast %scan3A_32 : i32 to index
        %get3A_63 = arith.constant 16 : index
        %get3A_64 = tpu.vector_load %arg15[%get3A_62, %get3A_63] {strides = array<i32>} : memref<128x128xf32, #tpu.memory_space<vmem>>, vector<1x16xf32>,
        %get3A_65 = vector.shape_cast %get3A_64 : vector<1x16xf32> to vector<16xf32>
        %slice3A_66 = vector.extract_strided_slice %select_n3A_46 {offsets = [1], sizes = [1], strides = [1]} : vector<16xf32> to vector<1xf32>
        %squeeze3A_67 = vector.extract %slice3A_66[0] : f32 from vector<1xf32>
        %mul3A_68 = vector.broadcast %squeeze3A_67 : f32 to vector<16xf32>
        %mul3A_69 = arith.mulf %get3A_65, %mul3A_68 : vector<16xf32>
        %swap3A_70 = arith.index_cast %scan3A_32 : i32 to index
        %swap3A_71 = arith.constant 16 : index
        %swap3A_72 = tpu.vector_load %arg15[%swap3A_70, %swap3A_71] {strides = array<i32>} : memref<128x128xf32, #tpu.memory_space<vmem>>, vector<1x16xf32>,
        %swap3A_73 = vector.shape_cast %swap3A_72 : vector<1x16xf32> to vector<16xf32>
        %swap3A_74 = vector.shape_cast %mul3A_69 : vector<16xf32> to vector<1x16xf32>
        tpu.vector_store %arg15[%swap3A_70, %swap3A_71], %swap3A_74 {strides = array<i32>} : memref<128x128xf32, #tpu.memory_space<vmem>>, vector<1x16xf32>,
        %get3A_75 = arith.index_cast %scan3A_32 : i32 to index
        %get3A_76 = arith.constant 32 : index
        %get3A_77 = tpu.vector_load %arg15[%get3A_75, %get3A_76] {strides = array<i32>} : memref<128x128xf32, #tpu.memory_space<vmem>>, vector<1x16xf32>,
        %get3A_78 = vector.shape_cast %get3A_77 : vector<1x16xf32> to vector<16xf32>
        %slice3A_79 = vector.extract_strided_slice %select_n3A_46 {offsets = [2], sizes = [1], strides = [1]} : vector<16xf32> to vector<1xf32>
        %squeeze3A_80 = vector.extract %slice3A_79[0] : f32 from vector<1xf32>
        %mul3A_81 = vector.broadcast %squeeze3A_80 : f32 to vector<16xf32>
        %mul3A_82 = arith.mulf %get3A_78, %mul3A_81 : vector<16xf32>
        %swap3A_83 = arith.index_cast %scan3A_32 : i32 to index
        %swap3A_84 = arith.constant 32 : index
        %swap3A_85 = tpu.vector_load %arg15[%swap3A_83, %swap3A_84] {strides = array<i32>} : memref<128x128xf32, #tpu.memory_space<vmem>>, vector<1x16xf32>,
        %swap3A_86 = vector.shape_cast %swap3A_85 : vector<1x16xf32> to vector<16xf32>
        %swap3A_87 = vector.shape_cast %mul3A_82 : vector<16xf32> to vector<1x16xf32>
        tpu.vector_store %arg15[%swap3A_83, %swap3A_84], %swap3A_87 {strides = array<i32>} : memref<128x128xf32, #tpu.memory_space<vmem>>, vector<1x16xf32>,
        %get3A_88 = arith.index_cast %scan3A_32 : i32 to index
        %get3A_89 = arith.constant 48 : index
        %get3A_90 = tpu.vector_load %arg15[%get3A_88, %get3A_89] {strides = array<i32>} : memref<128x128xf32, #tpu.memory_space<vmem>>, vector<1x16xf32>,
        %get3A_91 = vector.shape_cast %get3A_90 : vector<1x16xf32> to vector<16xf32>
        %slice3A_92 = vector.extract_strided_slice %select_n3A_46 {offsets = [3], sizes = [1], strides = [1]} : vector<16xf32> to vector<1xf32>
        %squeeze3A_93 = vector.extract %slice3A_92[0] : f32 from vector<1xf32>
        %mul3A_94 = vector.broadcast %squeeze3A_93 : f32 to vector<16xf32>
        %mul3A_95 = arith.mulf %get3A_91, %mul3A_94 : vector<16xf32>
        %swap3A_96 = arith.index_cast %scan3A_32 : i32 to index
        %swap3A_97 = arith.constant 48 : index
        %swap3A_98 = tpu.vector_load %arg15[%swap3A_96, %swap3A_97] {strides = array<i32>} : memref<128x128xf32, #tpu.memory_space<vmem>>, vector<1x16xf32>,
        %swap3A_99 = vector.shape_cast %swap3A_98 : vector<1x16xf32> to vector<16xf32>
        %swap3A_100 = vector.shape_cast %mul3A_95 : vector<16xf32> to vector<1x16xf32>
        tpu.vector_store %arg15[%swap3A_96, %swap3A_97], %swap3A_100 {strides = array<i32>} : memref<128x128xf32, #tpu.memory_space<vmem>>, vector<1x16xf32>,
        %get3A_101 = arith.index_cast %scan3A_32 : i32 to index
        %get3A_102 = arith.constant 64 : index
        %get3A_103 = tpu.vector_load %arg15[%get3A_101, %get3A_102] {strides = array<i32>} : memref<128x128xf32, #tpu.memory_space<vmem>>, vector<1x16xf32>,
        %get3A_104 = vector.shape_cast %get3A_103 : vector<1x16xf32> to vector<16xf32>
        %slice3A_105 = vector.extract_strided_slice %select_n3A_46 {offsets = [4], sizes = [1], strides = [1]} : vector<16xf32> to vector<1xf32>
        %squeeze3A_106 = vector.extract %slice3A_105[0] : f32 from vector<1xf32>
        %mul3A_107 = vector.broadcast %squeeze3A_106 : f32 to vector<16xf32>
        %mul3A_108 = arith.mulf %get3A_104, %mul3A_107 : vector<16xf32>
        %swap3A_109 = arith.index_cast %scan3A_32 : i32 to index
        %swap3A_110 = arith.constant 64 : index
        %swap3A_111 = tpu.vector_load %arg15[%swap3A_109, %swap3A_110] {strides = array<i32>} : memref<128x128xf32, #tpu.memory_space<vmem>>, vector<1x16xf32>,
        %swap3A_112 = vector.shape_cast %swap3A_111 : vector<1x16xf32> to vector<16xf32>
        %swap3A_113 = vector.shape_cast %mul3A_108 : vector<16xf32> to vector<1x16xf32>
        tpu.vector_store %arg15[%swap3A_109, %swap3A_110], %swap3A_113 {strides = array<i32>} : memref<128x128xf32, #tpu.memory_space<vmem>>, vector<1x16xf32>,
        %get3A_114 = arith.index_cast %scan3A_32 : i32 to index
        %get3A_115 = arith.constant 80 : index
        %get3A_116 = tpu.vector_load %arg15[%get3A_114, %get3A_115] {strides = array<i32>} : memref<128x128xf32, #tpu.memory_space<vmem>>, vector<1x16xf32>,
        %get3A_117 = vector.shape_cast %get3A_116 : vector<1x16xf32> to vector<16xf32>
        %slice3A_118 = vector.extract_strided_slice %select_n3A_46 {offsets = [5], sizes = [1], strides = [1]} : vector<16xf32> to vector<1xf32>
        %squeeze3A_119 = vector.extract %slice3A_118[0] : f32 from vector<1xf32>
        %mul3A_120 = vector.broadcast %squeeze3A_119 : f32 to vector<16xf32>
        %mul3A_121 = arith.mulf %get3A_117, %mul3A_120 : vector<16xf32>
        %swap3A_122 = arith.index_cast %scan3A_32 : i32 to index
        %swap3A_123 = arith.constant 80 : index
        %swap3A_124 = tpu.vector_load %arg15[%swap3A_122, %swap3A_123] {strides = array<i32>} : memref<128x128xf32, #tpu.memory_space<vmem>>, vector<1x16xf32>,
        %swap3A_125 = vector.shape_cast %swap3A_124 : vector<1x16xf32> to vector<16xf32>
        %swap3A_126 = vector.shape_cast %mul3A_121 : vector<16xf32> to vector<1x16xf32>
        tpu.vector_store %arg15[%swap3A_122, %swap3A_123], %swap3A_126 {strides = array<i32>} : memref<128x128xf32, #tpu.memory_space<vmem>>, vector<1x16xf32>,
        %get3A_127 = arith.index_cast %scan3A_32 : i32 to index
        %get3A_128 = arith.constant 96 : index
        %get3A_129 = tpu.vector_load %arg15[%get3A_127, %get3A_128] {strides = array<i32>} : memref<128x128xf32, #tpu.memory_space<vmem>>, vector<1x16xf32>,
        %get3A_130 = vector.shape_cast %get3A_129 : vector<1x16xf32> to vector<16xf32>
        %slice3A_131 = vector.extract_strided_slice %select_n3A_46 {offsets = [6], sizes = [1], strides = [1]} : vector<16xf32> to vector<1xf32>
        %squeeze3A_132 = vector.extract %slice3A_131[0] : f32 from vector<1xf32>
        %mul3A_133 = vector.broadcast %squeeze3A_132 : f32 to vector<16xf32>
        %mul3A_134 = arith.mulf %get3A_130, %mul3A_133 : vector<16xf32>
        %swap3A_135 = arith.index_cast %scan3A_32 : i32 to index
        %swap3A_136 = arith.constant 96 : index
        %swap3A_137 = tpu.vector_load %arg15[%swap3A_135, %swap3A_136] {strides = array<i32>} : memref<128x128xf32, #tpu.memory_space<vmem>>, vector<1x16xf32>,
        %swap3A_138 = vector.shape_cast %swap3A_137 : vector<1x16xf32> to vector<16xf32>
        %swap3A_139 = vector.shape_cast %mul3A_134 : vector<16xf32> to vector<1x16xf32>
        tpu.vector_store %arg15[%swap3A_135, %swap3A_136], %swap3A_139 {strides = array<i32>} : memref<128x128xf32, #tpu.memory_space<vmem>>, vector<1x16xf32>,
        %get3A_140 = arith.index_cast %scan3A_32 : i32 to index
        %get3A_141 = arith.constant 112 : index
        %get3A_142 = tpu.vector_load %arg15[%get3A_140, %get3A_141] {strides = array<i32>} : memref<128x128xf32, #tpu.memory_space<vmem>>, vector<1x16xf32>,
        %get3A_143 = vector.shape_cast %get3A_142 : vector<1x16xf32> to vector<16xf32>
        %slice3A_144 = vector.extract_strided_slice %select_n3A_46 {offsets = [7], sizes = [1], strides = [1]} : vector<16xf32> to vector<1xf32>
        %squeeze3A_145 = vector.extract %slice3A_144[0] : f32 from vector<1xf32>
        %mul3A_146 = vector.broadcast %squeeze3A_145 : f32 to vector<16xf32>
        %mul3A_147 = arith.mulf %get3A_143, %mul3A_146 : vector<16xf32>
        %swap3A_148 = arith.index_cast %scan3A_32 : i32 to index
        %swap3A_149 = arith.constant 112 : index
        %swap3A_150 = tpu.vector_load %arg15[%swap3A_148, %swap3A_149] {strides = array<i32>} : memref<128x128xf32, #tpu.memory_space<vmem>>, vector<1x16xf32>,
        %swap3A_151 = vector.shape_cast %swap3A_150 : vector<1x16xf32> to vector<16xf32>
        %swap3A_152 = vector.shape_cast %mul3A_147 : vector<16xf32> to vector<1x16xf32>
        tpu.vector_store %arg15[%swap3A_148, %swap3A_149], %swap3A_152 {strides = array<i32>} : memref<128x128xf32, #tpu.memory_space<vmem>>, vector<1x16xf32>,
      }
      %scan3A_31 = arith.constant 128 : i32
      "tpu.region"() ({
        %run_scoped3A = tpu.sem_alloc : memref<!tpu.dma_semaphore, #tpu.memory_space<semaphore_mem>>
        %dma_start3A = arith.constant 0 : i32
        %dma_start3A_32 = arith.constant 0 : i32
        %dma_start3A_33 = tpu.memref_slice %arg11[%dma_start3A, %dma_start3A_32] : memref<10112x128xf32, #tpu.memory_space<vmem_shared>> -> memref<10112x128xf32, #tpu.memory_space<vmem_shared>>
        tpu.enqueue_indirect_dma source(%arg15 : memref<128x128xf32, #tpu.memory_space<vmem>>) target(%dma_start3A_33 : memref<10112x128xf32, #tpu.memory_space<vmem_shared>>) offsets(%arg14 : memref<128xi32, #tpu.memory_space<vmem>>) semaphore(%run_scoped3A : memref<!tpu.dma_semaphore, #tpu.memory_space<semaphore_mem>>) {add = true}
        %dma_wait3A = arith.constant 0 : i32
        %dma_wait3A_34 = arith.constant 0 : i32
        %dma_wait3A_35 = tpu.memref_slice %arg11[%dma_wait3A, %dma_wait3A_34] : memref<10112x128xf32, #tpu.memory_space<vmem_shared>> -> memref<10112x128xf32, #tpu.memory_space<vmem_shared>>
        tpu.wait_indirect_dma semaphore(%run_scoped3A : memref<!tpu.dma_semaphore, #tpu.memory_space<semaphore_mem>>) src(%arg15 : memref<128x128xf32, #tpu.memory_space<vmem>>) dst(%dma_wait3A_35 : memref<10112x128xf32, #tpu.memory_space<vmem_shared>>)
        tpu.yield
      }) : () -> ()
      "tpu.region"() ({
        %run_scoped3A = tpu.sem_alloc : memref<!tpu.dma_semaphore, #tpu.memory_space<semaphore_mem>>
        %dma_start3A = arith.constant 0 : i32
        %dma_start3A_32 = arith.constant 0 : i32
        %dma_start3A_33 = tpu.memref_slice %arg12[%dma_start3A, %dma_start3A_32] : memref<10112x16xf32, #tpu.memory_space<vmem_shared>> -> memref<10112x16xf32, #tpu.memory_space<vmem_shared>>
        tpu.enqueue_indirect_dma source(%arg18 : memref<128x16xf32, #tpu.memory_space<vmem>>) target(%dma_start3A_33 : memref<10112x16xf32, #tpu.memory_space<vmem_shared>>) offsets(%arg14 : memref<128xi32, #tpu.memory_space<vmem>>) semaphore(%run_scoped3A : memref<!tpu.dma_semaphore, #tpu.memory_space<semaphore_mem>>) {add = true}
        %dma_wait3A = arith.constant 0 : i32
        %dma_wait3A_34 = arith.constant 0 : i32
        %dma_wait3A_35 = tpu.memref_slice %arg12[%dma_wait3A, %dma_wait3A_34] : memref<10112x16xf32, #tpu.memory_space<vmem_shared>> -> memref<10112x16xf32, #tpu.memory_space<vmem_shared>>
        tpu.wait_indirect_dma semaphore(%run_scoped3A : memref<!tpu.dma_semaphore, #tpu.memory_space<semaphore_mem>>) src(%arg18 : memref<128x16xf32, #tpu.memory_space<vmem>>) dst(%dma_wait3A_35 : memref<10112x16xf32, #tpu.memory_space<vmem_shared>>)
        tpu.yield
      }) : () -> ()
    }
    %scan3A_15 = arith.constant 81 : i32
    %barrier3A_16 = arith.constant 0 : index
    tpu.barrier barrier_id(%barrier3A_16)
    %mul3A_17 = arith.constant 632 : i32
    %mul3A_18 = arith.muli %arg1, %mul3A_17 : i32
    %mul3A_19 = arith.constant 632 : i32
    %mul3A_20 = arith.muli %arg1, %mul3A_19 : i32
    "tpu.region"() ({
      %run_scoped3A = tpu.sem_alloc : memref<!tpu.dma_semaphore, #tpu.memory_space<semaphore_mem>>
      %dma_start3A = arith.constant 0 : i32
      %dma_start3A_25 = tpu.memref_slice %arg9[%arg0, %mul3A_20, %dma_start3A] : memref<2x10112x128xf32, #tpu.memory_space<hbm>> -> memref<1x632x128xf32, #tpu.memory_space<hbm>>
      %dma_start3A_26 = tpu.memref_squeeze %dma_start3A_25 : memref<1x632x128xf32, #tpu.memory_space<hbm>> -> memref<632x128xf32, #tpu.memory_space<hbm>>
      %dma_start3A_27 = arith.constant 0 : i32
      %dma_start3A_28 = tpu.memref_slice %arg11[%mul3A_18, %dma_start3A_27] : memref<10112x128xf32, #tpu.memory_space<vmem_shared>> -> memref<632x128xf32, #tpu.memory_space<vmem_shared>>
      tpu.enqueue_dma source(%dma_start3A_28 : memref<632x128xf32, #tpu.memory_space<vmem_shared>>) target(%dma_start3A_26 : memref<632x128xf32, #tpu.memory_space<hbm>>) target_semaphore(%run_scoped3A : memref<!tpu.dma_semaphore, #tpu.memory_space<semaphore_mem>>)
      %dma_wait3A = arith.constant 0 : i32
      %dma_wait3A_29 = tpu.memref_slice %arg9[%arg0, %mul3A_20, %dma_wait3A] : memref<2x10112x128xf32, #tpu.memory_space<hbm>> -> memref<1x632x128xf32, #tpu.memory_space<hbm>>
      %dma_wait3A_30 = tpu.memref_squeeze %dma_wait3A_29 : memref<1x632x128xf32, #tpu.memory_space<hbm>> -> memref<632x128xf32, #tpu.memory_space<hbm>>
      %dma_wait3A_31 = arith.constant 0 : i32
      %dma_wait3A_32 = tpu.memref_slice %arg11[%mul3A_18, %dma_wait3A_31] : memref<10112x128xf32, #tpu.memory_space<vmem_shared>> -> memref<632x128xf32, #tpu.memory_space<vmem_shared>>
      tpu.wait_dma2 semaphore(%run_scoped3A : memref<!tpu.dma_semaphore, #tpu.memory_space<semaphore_mem>>) src(%dma_wait3A_32 : memref<632x128xf32, #tpu.memory_space<vmem_shared>>) dst(%dma_wait3A_30 : memref<632x128xf32, #tpu.memory_space<hbm>>)
      tpu.yield
    }) : () -> ()
    %mul3A_21 = arith.constant 632 : i32
    %mul3A_22 = arith.muli %arg1, %mul3A_21 : i32
    %mul3A_23 = arith.constant 632 : i32
    %mul3A_24 = arith.muli %arg1, %mul3A_23 : i32
    "tpu.region"() ({
      %run_scoped3A = tpu.sem_alloc : memref<!tpu.dma_semaphore, #tpu.memory_space<semaphore_mem>>
      %dma_start3A = arith.constant 0 : i32
      %dma_start3A_25 = tpu.memref_slice %arg10[%arg0, %mul3A_24, %dma_start3A] : memref<2x10112x16xf32, #tpu.memory_space<hbm>> -> memref<1x632x16xf32, #tpu.memory_space<hbm>>
      %dma_start3A_26 = tpu.memref_squeeze %dma_start3A_25 : memref<1x632x16xf32, #tpu.memory_space<hbm>> -> memref<632x16xf32, #tpu.memory_space<hbm>>
      %dma_start3A_27 = arith.constant 0 : i32
      %dma_start3A_28 = tpu.memref_slice %arg12[%mul3A_22, %dma_start3A_27] : memref<10112x16xf32, #tpu.memory_space<vmem_shared>> -> memref<632x16xf32, #tpu.memory_space<vmem_shared>>
      tpu.enqueue_dma source(%dma_start3A_28 : memref<632x16xf32, #tpu.memory_space<vmem_shared>>) target(%dma_start3A_26 : memref<632x16xf32, #tpu.memory_space<hbm>>) target_semaphore(%run_scoped3A : memref<!tpu.dma_semaphore, #tpu.memory_space<semaphore_mem>>)
      %dma_wait3A = arith.constant 0 : i32
      %dma_wait3A_29 = tpu.memref_slice %arg10[%arg0, %mul3A_24, %dma_wait3A] : memref<2x10112x16xf32, #tpu.memory_space<hbm>> -> memref<1x632x16xf32, #tpu.memory_space<hbm>>
      %dma_wait3A_30 = tpu.memref_squeeze %dma_wait3A_29 : memref<1x632x16xf32, #tpu.memory_space<hbm>> -> memref<632x16xf32, #tpu.memory_space<hbm>>
      %dma_wait3A_31 = arith.constant 0 : i32
      %dma_wait3A_32 = tpu.memref_slice %arg12[%mul3A_22, %dma_wait3A_31] : memref<10112x16xf32, #tpu.memory_space<vmem_shared>> -> memref<632x16xf32, #tpu.memory_space<vmem_shared>>
      tpu.wait_dma2 semaphore(%run_scoped3A : memref<!tpu.dma_semaphore, #tpu.memory_space<semaphore_mem>>) src(%dma_wait3A_32 : memref<632x16xf32, #tpu.memory_space<vmem_shared>>) dst(%dma_wait3A_30 : memref<632x16xf32, #tpu.memory_space<hbm>>)
      tpu.yield
    }) : () -> ()
    return
  }
}

#map = affine_map<(d0, d1) -> (0, 0)>
#map1 = affine_map<(d0, d1) -> (0, 0, 0)>
module attributes {stable_mosaic.version = 14 : i64} {
  func.func @_sc_edge_body(%arg0: i32, %arg1: i32, %arg2: memref<10000x128xf32, #tpu.memory_space<hbm>>, %arg3: memref<10000x16xf32, #tpu.memory_space<hbm>>, %arg4: memref<10112x16xf32, #tpu.memory_space<hbm>>, %arg5: memref<32x81x128xi32, #tpu.memory_space<hbm>>, %arg6: memref<32x81x128xi32, #tpu.memory_space<hbm>>, %arg7: memref<10112x128xf32, #tpu.memory_space<hbm>>, %arg8: memref<10112x16xf32, #tpu.memory_space<hbm>>, %arg9: memref<2x10112x128xf32, #tpu.memory_space<hbm>>, %arg10: memref<2x10112x16xf32, #tpu.memory_space<hbm>>, %arg11: memref<10112x128xf32, #tpu.memory_space<vmem_shared>>, %arg12: memref<10112x16xf32, #tpu.memory_space<vmem_shared>>, %arg13: memref<128xi32, #tpu.memory_space<vmem>>, %arg14: memref<128xi32, #tpu.memory_space<vmem>>, %arg15: memref<128x128xf32, #tpu.memory_space<vmem>>, %arg16: memref<128x16xf32, #tpu.memory_space<vmem>>, %arg17: memref<128x16xf32, #tpu.memory_space<vmem>>, %arg18: memref<128x16xf32, #tpu.memory_space<vmem>>) attributes {dimension_semantics = [#tpu.dimension_semantics<core_parallel>, #tpu.dimension_semantics<subcore_parallel>], iteration_bounds = array<i64: 2, 16>, scalar_prefetch = 0 : i64, scratch_operands = 8 : i64, tpu.core_type = #tpu.core_type<sc_vector_subcore>, window_params = [{transform_indices = #map}, {transform_indices = #map}, {transform_indices = #map}, {transform_indices = #map1}, {transform_indices = #map1}, {transform_indices = #map}, {transform_indices = #map}, {transform_indices = #map1}, {transform_indices = #map1}]} {
    %mul3A = arith.constant 16 : i32
    %mul3A_0 = arith.muli %arg0, %mul3A : i32
    %add3A = arith.addi %mul3A_0, %arg1 : i32
    %mul3A_1 = arith.constant 632 : i32
    %mul3A_2 = arith.muli %arg1, %mul3A_1 : i32
    %mul3A_3 = arith.constant 632 : i32
    %mul3A_4 = arith.muli %arg1, %mul3A_3 : i32
    "tpu.region"() ({
      %run_scoped3A = tpu.sem_alloc : memref<!tpu.dma_semaphore, #tpu.memory_space<semaphore_mem>>
      %dma_start3A = arith.constant 0 : i32
      %dma_start3A_25 = tpu.memref_slice %arg11[%mul3A_4, %dma_start3A] : memref<10112x128xf32, #tpu.memory_space<vmem_shared>> -> memref<632x128xf32, #tpu.memory_space<vmem_shared>>
      %dma_start3A_26 = arith.constant 0 : i32
      %dma_start3A_27 = tpu.memref_slice %arg7[%mul3A_2, %dma_start3A_26] : memref<10112x128xf32, #tpu.memory_space<hbm>> -> memref<632x128xf32, #tpu.memory_space<hbm>>
      tpu.enqueue_dma source(%dma_start3A_27 : memref<632x128xf32, #tpu.memory_space<hbm>>) target(%dma_start3A_25 : memref<632x128xf32, #tpu.memory_space<vmem_shared>>) target_semaphore(%run_scoped3A : memref<!tpu.dma_semaphore, #tpu.memory_space<semaphore_mem>>)
      %dma_wait3A = arith.constant 0 : i32
      %dma_wait3A_28 = tpu.memref_slice %arg11[%mul3A_4, %dma_wait3A] : memref<10112x128xf32, #tpu.memory_space<vmem_shared>> -> memref<632x128xf32, #tpu.memory_space<vmem_shared>>
      %dma_wait3A_29 = arith.constant 0 : i32
      %dma_wait3A_30 = tpu.memref_slice %arg7[%mul3A_2, %dma_wait3A_29] : memref<10112x128xf32, #tpu.memory_space<hbm>> -> memref<632x128xf32, #tpu.memory_space<hbm>>
      tpu.wait_dma2 semaphore(%run_scoped3A : memref<!tpu.dma_semaphore, #tpu.memory_space<semaphore_mem>>) src(%dma_wait3A_30 : memref<632x128xf32, #tpu.memory_space<hbm>>) dst(%dma_wait3A_28 : memref<632x128xf32, #tpu.memory_space<vmem_shared>>)
      tpu.yield
    }) : () -> ()
    %mul3A_5 = arith.constant 632 : i32
    %mul3A_6 = arith.muli %arg1, %mul3A_5 : i32
    %mul3A_7 = arith.constant 632 : i32
    %mul3A_8 = arith.muli %arg1, %mul3A_7 : i32
    "tpu.region"() ({
      %run_scoped3A = tpu.sem_alloc : memref<!tpu.dma_semaphore, #tpu.memory_space<semaphore_mem>>
      %dma_start3A = arith.constant 0 : i32
      %dma_start3A_25 = tpu.memref_slice %arg12[%mul3A_8, %dma_start3A] : memref<10112x16xf32, #tpu.memory_space<vmem_shared>> -> memref<632x16xf32, #tpu.memory_space<vmem_shared>>
      %dma_start3A_26 = arith.constant 0 : i32
      %dma_start3A_27 = tpu.memref_slice %arg8[%mul3A_6, %dma_start3A_26] : memref<10112x16xf32, #tpu.memory_space<hbm>> -> memref<632x16xf32, #tpu.memory_space<hbm>>
      tpu.enqueue_dma source(%dma_start3A_27 : memref<632x16xf32, #tpu.memory_space<hbm>>) target(%dma_start3A_25 : memref<632x16xf32, #tpu.memory_space<vmem_shared>>) target_semaphore(%run_scoped3A : memref<!tpu.dma_semaphore, #tpu.memory_space<semaphore_mem>>)
      %dma_wait3A = arith.constant 0 : i32
      %dma_wait3A_28 = tpu.memref_slice %arg12[%mul3A_8, %dma_wait3A] : memref<10112x16xf32, #tpu.memory_space<vmem_shared>> -> memref<632x16xf32, #tpu.memory_space<vmem_shared>>
      %dma_wait3A_29 = arith.constant 0 : i32
      %dma_wait3A_30 = tpu.memref_slice %arg8[%mul3A_6, %dma_wait3A_29] : memref<10112x16xf32, #tpu.memory_space<hbm>> -> memref<632x16xf32, #tpu.memory_space<hbm>>
      tpu.wait_dma2 semaphore(%run_scoped3A : memref<!tpu.dma_semaphore, #tpu.memory_space<semaphore_mem>>) src(%dma_wait3A_30 : memref<632x16xf32, #tpu.memory_space<hbm>>) dst(%dma_wait3A_28 : memref<632x16xf32, #tpu.memory_space<vmem_shared>>)
      tpu.yield
    }) : () -> ()
    %barrier3A = arith.constant 0 : index
    tpu.barrier barrier_id(%barrier3A)
    %iota3A = tpu.iota {dimensions = array<i32: 0>} : vector<16xi32>
    %lt3A = arith.constant 8 : i32
    %lt3A_9 = vector.broadcast %lt3A : i32 to vector<16xi32>
    %lt3A_10 = arith.cmpi slt, %iota3A, %lt3A_9 : vector<16xi32>
    %scan3A = arith.constant 0 : i32
    %scan3A_11 = arith.constant 0 : i32
    %scan3A_12 = arith.constant 81 : i32
    %scan3A_13 = arith.addi %scan3A_11, %scan3A_12 : i32
    %scan3A_14 = arith.constant 1 : i32
    scf.for %scan3A_25 = %scan3A_11 to %scan3A_13 step %scan3A_14  : i32 {
      "tpu.region"() ({
        %run_scoped3A = tpu.sem_alloc : memref<!tpu.dma_semaphore, #tpu.memory_space<semaphore_mem>>
        %dma_start3A = arith.constant 0 : i32
        %dma_start3A_32 = tpu.memref_slice %arg5[%add3A, %scan3A_25, %dma_start3A] : memref<32x81x128xi32, #tpu.memory_space<hbm>> -> memref<1x1x128xi32, #tpu.memory_space<hbm>>
        %dma_start3A_33 = tpu.memref_squeeze %dma_start3A_32 : memref<1x1x128xi32, #tpu.memory_space<hbm>> -> memref<128xi32, #tpu.memory_space<hbm>>
        %dma_start3A_34 = arith.constant 0 : i32
        %dma_start3A_35 = tpu.memref_slice %arg5[%add3A, %scan3A_25, %dma_start3A_34] : memref<32x81x128xi32, #tpu.memory_space<hbm>> -> memref<1x1x128xi32, #tpu.memory_space<hbm>>
        %dma_start3A_36 = tpu.memref_squeeze %dma_start3A_35 : memref<1x1x128xi32, #tpu.memory_space<hbm>> -> memref<128xi32, #tpu.memory_space<hbm>>
        tpu.enqueue_dma source(%dma_start3A_36 : memref<128xi32, #tpu.memory_space<hbm>>) target(%arg13 : memref<128xi32, #tpu.memory_space<vmem>>) target_semaphore(%run_scoped3A : memref<!tpu.dma_semaphore, #tpu.memory_space<semaphore_mem>>)
        %dma_wait3A = arith.constant 0 : i32
        %dma_wait3A_37 = tpu.memref_slice %arg5[%add3A, %scan3A_25, %dma_wait3A] : memref<32x81x128xi32, #tpu.memory_space<hbm>> -> memref<1x1x128xi32, #tpu.memory_space<hbm>>
        %dma_wait3A_38 = tpu.memref_squeeze %dma_wait3A_37 : memref<1x1x128xi32, #tpu.memory_space<hbm>> -> memref<128xi32, #tpu.memory_space<hbm>>
        %dma_wait3A_39 = arith.constant 0 : i32
        %dma_wait3A_40 = tpu.memref_slice %arg5[%add3A, %scan3A_25, %dma_wait3A_39] : memref<32x81x128xi32, #tpu.memory_space<hbm>> -> memref<1x1x128xi32, #tpu.memory_space<hbm>>
        %dma_wait3A_41 = tpu.memref_squeeze %dma_wait3A_40 : memref<1x1x128xi32, #tpu.memory_space<hbm>> -> memref<128xi32, #tpu.memory_space<hbm>>
        tpu.wait_dma2 semaphore(%run_scoped3A : memref<!tpu.dma_semaphore, #tpu.memory_space<semaphore_mem>>) src(%dma_wait3A_41 : memref<128xi32, #tpu.memory_space<hbm>>) dst(%arg13 : memref<128xi32, #tpu.memory_space<vmem>>)
        tpu.yield
      }) : () -> ()
      "tpu.region"() ({
        %run_scoped3A = tpu.sem_alloc : memref<!tpu.dma_semaphore, #tpu.memory_space<semaphore_mem>>
        %dma_start3A = arith.constant 0 : i32
        %dma_start3A_32 = tpu.memref_slice %arg6[%add3A, %scan3A_25, %dma_start3A] : memref<32x81x128xi32, #tpu.memory_space<hbm>> -> memref<1x1x128xi32, #tpu.memory_space<hbm>>
        %dma_start3A_33 = tpu.memref_squeeze %dma_start3A_32 : memref<1x1x128xi32, #tpu.memory_space<hbm>> -> memref<128xi32, #tpu.memory_space<hbm>>
        %dma_start3A_34 = arith.constant 0 : i32
        %dma_start3A_35 = tpu.memref_slice %arg6[%add3A, %scan3A_25, %dma_start3A_34] : memref<32x81x128xi32, #tpu.memory_space<hbm>> -> memref<1x1x128xi32, #tpu.memory_space<hbm>>
        %dma_start3A_36 = tpu.memref_squeeze %dma_start3A_35 : memref<1x1x128xi32, #tpu.memory_space<hbm>> -> memref<128xi32, #tpu.memory_space<hbm>>
        tpu.enqueue_dma source(%dma_start3A_36 : memref<128xi32, #tpu.memory_space<hbm>>) target(%arg14 : memref<128xi32, #tpu.memory_space<vmem>>) target_semaphore(%run_scoped3A : memref<!tpu.dma_semaphore, #tpu.memory_space<semaphore_mem>>)
        %dma_wait3A = arith.constant 0 : i32
        %dma_wait3A_37 = tpu.memref_slice %arg6[%add3A, %scan3A_25, %dma_wait3A] : memref<32x81x128xi32, #tpu.memory_space<hbm>> -> memref<1x1x128xi32, #tpu.memory_space<hbm>>
        %dma_wait3A_38 = tpu.memref_squeeze %dma_wait3A_37 : memref<1x1x128xi32, #tpu.memory_space<hbm>> -> memref<128xi32, #tpu.memory_space<hbm>>
        %dma_wait3A_39 = arith.constant 0 : i32
        %dma_wait3A_40 = tpu.memref_slice %arg6[%add3A, %scan3A_25, %dma_wait3A_39] : memref<32x81x128xi32, #tpu.memory_space<hbm>> -> memref<1x1x128xi32, #tpu.memory_space<hbm>>
        %dma_wait3A_41 = tpu.memref_squeeze %dma_wait3A_40 : memref<1x1x128xi32, #tpu.memory_space<hbm>> -> memref<128xi32, #tpu.memory_space<hbm>>
        tpu.wait_dma2 semaphore(%run_scoped3A : memref<!tpu.dma_semaphore, #tpu.memory_space<semaphore_mem>>) src(%dma_wait3A_41 : memref<128xi32, #tpu.memory_space<hbm>>) dst(%arg14 : memref<128xi32, #tpu.memory_space<vmem>>)
        tpu.yield
      }) : () -> ()
      "tpu.region"() ({
        %run_scoped3A = tpu.sem_alloc : memref<!tpu.dma_semaphore, #tpu.memory_space<semaphore_mem>>
        %dma_start3A = arith.constant 0 : i32
        %dma_start3A_32 = arith.constant 0 : i32
        %dma_start3A_33 = tpu.memref_slice %arg2[%dma_start3A, %dma_start3A_32] : memref<10000x128xf32, #tpu.memory_space<hbm>> -> memref<10000x128xf32, #tpu.memory_space<hbm>>
        tpu.enqueue_indirect_dma source(%dma_start3A_33 : memref<10000x128xf32, #tpu.memory_space<hbm>>) target(%arg15 : memref<128x128xf32, #tpu.memory_space<vmem>>) offsets(%arg13 : memref<128xi32, #tpu.memory_space<vmem>>) semaphore(%run_scoped3A : memref<!tpu.dma_semaphore, #tpu.memory_space<semaphore_mem>>)
        %dma_wait3A = arith.constant 0 : i32
        %dma_wait3A_34 = arith.constant 0 : i32
        %dma_wait3A_35 = tpu.memref_slice %arg2[%dma_wait3A, %dma_wait3A_34] : memref<10000x128xf32, #tpu.memory_space<hbm>> -> memref<10000x128xf32, #tpu.memory_space<hbm>>
        tpu.wait_indirect_dma semaphore(%run_scoped3A : memref<!tpu.dma_semaphore, #tpu.memory_space<semaphore_mem>>) src(%dma_wait3A_35 : memref<10000x128xf32, #tpu.memory_space<hbm>>) dst(%arg15 : memref<128x128xf32, #tpu.memory_space<vmem>>)
        tpu.yield
      }) : () -> ()
      "tpu.region"() ({
        %run_scoped3A = tpu.sem_alloc : memref<!tpu.dma_semaphore, #tpu.memory_space<semaphore_mem>>
        %dma_start3A = arith.constant 0 : i32
        %dma_start3A_32 = arith.constant 0 : i32
        %dma_start3A_33 = tpu.memref_slice %arg3[%dma_start3A, %dma_start3A_32] : memref<10000x16xf32, #tpu.memory_space<hbm>> -> memref<10000x16xf32, #tpu.memory_space<hbm>>
        tpu.enqueue_indirect_dma source(%dma_start3A_33 : memref<10000x16xf32, #tpu.memory_space<hbm>>) target(%arg16 : memref<128x16xf32, #tpu.memory_space<vmem>>) offsets(%arg13 : memref<128xi32, #tpu.memory_space<vmem>>) semaphore(%run_scoped3A : memref<!tpu.dma_semaphore, #tpu.memory_space<semaphore_mem>>)
        %dma_wait3A = arith.constant 0 : i32
        %dma_wait3A_34 = arith.constant 0 : i32
        %dma_wait3A_35 = tpu.memref_slice %arg3[%dma_wait3A, %dma_wait3A_34] : memref<10000x16xf32, #tpu.memory_space<hbm>> -> memref<10000x16xf32, #tpu.memory_space<hbm>>
        tpu.wait_indirect_dma semaphore(%run_scoped3A : memref<!tpu.dma_semaphore, #tpu.memory_space<semaphore_mem>>) src(%dma_wait3A_35 : memref<10000x16xf32, #tpu.memory_space<hbm>>) dst(%arg16 : memref<128x16xf32, #tpu.memory_space<vmem>>)
        tpu.yield
      }) : () -> ()
      "tpu.region"() ({
        %run_scoped3A = tpu.sem_alloc : memref<!tpu.dma_semaphore, #tpu.memory_space<semaphore_mem>>
        %dma_start3A = arith.constant 0 : i32
        %dma_start3A_32 = arith.constant 0 : i32
        %dma_start3A_33 = tpu.memref_slice %arg4[%dma_start3A, %dma_start3A_32] : memref<10112x16xf32, #tpu.memory_space<hbm>> -> memref<10112x16xf32, #tpu.memory_space<hbm>>
        tpu.enqueue_indirect_dma source(%dma_start3A_33 : memref<10112x16xf32, #tpu.memory_space<hbm>>) target(%arg17 : memref<128x16xf32, #tpu.memory_space<vmem>>) offsets(%arg14 : memref<128xi32, #tpu.memory_space<vmem>>) semaphore(%run_scoped3A : memref<!tpu.dma_semaphore, #tpu.memory_space<semaphore_mem>>)
        %dma_wait3A = arith.constant 0 : i32
        %dma_wait3A_34 = arith.constant 0 : i32
        %dma_wait3A_35 = tpu.memref_slice %arg4[%dma_wait3A, %dma_wait3A_34] : memref<10112x16xf32, #tpu.memory_space<hbm>> -> memref<10112x16xf32, #tpu.memory_space<hbm>>
        tpu.wait_indirect_dma semaphore(%run_scoped3A : memref<!tpu.dma_semaphore, #tpu.memory_space<semaphore_mem>>) src(%dma_wait3A_35 : memref<10112x16xf32, #tpu.memory_space<hbm>>) dst(%arg17 : memref<128x16xf32, #tpu.memory_space<vmem>>)
        tpu.yield
      }) : () -> ()
      %scan3A_26 = arith.constant 0 : i32
      %scan3A_27 = arith.constant 0 : i32
      %scan3A_28 = arith.constant 128 : i32
      %scan3A_29 = arith.addi %scan3A_27, %scan3A_28 : i32
      %scan3A_30 = arith.constant 1 : i32
      scf.for %scan3A_32 = %scan3A_27 to %scan3A_29 step %scan3A_30  : i32 {
        %get3A = arith.index_cast %scan3A_32 : i32 to index
        %get3A_33 = arith.constant 0 : index
        %get3A_34 = tpu.vector_load %arg16[%get3A, %get3A_33] {strides = array<i32>} : memref<128x16xf32, #tpu.memory_space<vmem>>, vector<1x16xf32>,
        %get3A_35 = vector.shape_cast %get3A_34 : vector<1x16xf32> to vector<16xf32>
        %get3A_36 = arith.index_cast %scan3A_32 : i32 to index
        %get3A_37 = arith.constant 0 : index
        %get3A_38 = tpu.vector_load %arg17[%get3A_36, %get3A_37] {strides = array<i32>} : memref<128x16xf32, #tpu.memory_space<vmem>>, vector<1x16xf32>,
        %get3A_39 = vector.shape_cast %get3A_38 : vector<1x16xf32> to vector<16xf32>
        %add3A_40 = arith.addf %get3A_35, %get3A_39 : vector<16xf32>
        %ge3A = arith.constant 0.000000e+00 : f32
        %ge3A_41 = vector.broadcast %ge3A : f32 to vector<16xf32>
        %ge3A_42 = arith.cmpf oge, %add3A_40, %ge3A_41 : vector<16xf32>
        %mul3A_43 = arith.constant 2.000000e-01 : f32
        %mul3A_44 = vector.broadcast %mul3A_43 : f32 to vector<16xf32>
        %mul3A_45 = arith.mulf %add3A_40, %mul3A_44 : vector<16xf32>
        %select_n3A = arith.select %ge3A_42, %add3A_40, %mul3A_45 : vector<16xi1>, vector<16xf32>
        %exp3A = math.exp %select_n3A : vector<16xf32>
        %jit3A = arith.constant 0.000000e+00 : f32
        %broadcast_in_dim3A = vector.broadcast %jit3A : f32 to vector<16xf32>
        %select_n3A_46 = arith.select %lt3A_10, %exp3A, %broadcast_in_dim3A : vector<16xi1>, vector<16xf32>
        %swap3A = arith.index_cast %scan3A_32 : i32 to index
        %swap3A_47 = arith.constant 0 : index
        %swap3A_48 = tpu.vector_load %arg18[%swap3A, %swap3A_47] {strides = array<i32>} : memref<128x16xf32, #tpu.memory_space<vmem>>, vector<1x16xf32>,
        %swap3A_49 = vector.shape_cast %swap3A_48 : vector<1x16xf32> to vector<16xf32>
        %swap3A_50 = vector.shape_cast %select_n3A_46 : vector<16xf32> to vector<1x16xf32>
        tpu.vector_store %arg18[%swap3A, %swap3A_47], %swap3A_50 {strides = array<i32>} : memref<128x16xf32, #tpu.memory_space<vmem>>, vector<1x16xf32>,
        %get3A_51 = arith.index_cast %scan3A_32 : i32 to index
        %get3A_52 = arith.constant 0 : index
        %get3A_53 = tpu.vector_load %arg15[%get3A_51, %get3A_52] {strides = array<i32>} : memref<128x128xf32, #tpu.memory_space<vmem>>, vector<1x16xf32>,
        %get3A_54 = vector.shape_cast %get3A_53 : vector<1x16xf32> to vector<16xf32>
        %slice3A = vector.extract_strided_slice %select_n3A_46 {offsets = [0], sizes = [1], strides = [1]} : vector<16xf32> to vector<1xf32>
        %squeeze3A = vector.extract %slice3A[0] : f32 from vector<1xf32>
        %mul3A_55 = vector.broadcast %squeeze3A : f32 to vector<16xf32>
        %mul3A_56 = arith.mulf %get3A_54, %mul3A_55 : vector<16xf32>
        %swap3A_57 = arith.index_cast %scan3A_32 : i32 to index
        %swap3A_58 = arith.constant 0 : index
        %swap3A_59 = tpu.vector_load %arg15[%swap3A_57, %swap3A_58] {strides = array<i32>} : memref<128x128xf32, #tpu.memory_space<vmem>>, vector<1x16xf32>,
        %swap3A_60 = vector.shape_cast %swap3A_59 : vector<1x16xf32> to vector<16xf32>
        %swap3A_61 = vector.shape_cast %mul3A_56 : vector<16xf32> to vector<1x16xf32>
        tpu.vector_store %arg15[%swap3A_57, %swap3A_58], %swap3A_61 {strides = array<i32>} : memref<128x128xf32, #tpu.memory_space<vmem>>, vector<1x16xf32>,
        %get3A_62 = arith.index_cast %scan3A_32 : i32 to index
        %get3A_63 = arith.constant 16 : index
        %get3A_64 = tpu.vector_load %arg15[%get3A_62, %get3A_63] {strides = array<i32>} : memref<128x128xf32, #tpu.memory_space<vmem>>, vector<1x16xf32>,
        %get3A_65 = vector.shape_cast %get3A_64 : vector<1x16xf32> to vector<16xf32>
        %slice3A_66 = vector.extract_strided_slice %select_n3A_46 {offsets = [1], sizes = [1], strides = [1]} : vector<16xf32> to vector<1xf32>
        %squeeze3A_67 = vector.extract %slice3A_66[0] : f32 from vector<1xf32>
        %mul3A_68 = vector.broadcast %squeeze3A_67 : f32 to vector<16xf32>
        %mul3A_69 = arith.mulf %get3A_65, %mul3A_68 : vector<16xf32>
        %swap3A_70 = arith.index_cast %scan3A_32 : i32 to index
        %swap3A_71 = arith.constant 16 : index
        %swap3A_72 = tpu.vector_load %arg15[%swap3A_70, %swap3A_71] {strides = array<i32>} : memref<128x128xf32, #tpu.memory_space<vmem>>, vector<1x16xf32>,
        %swap3A_73 = vector.shape_cast %swap3A_72 : vector<1x16xf32> to vector<16xf32>
        %swap3A_74 = vector.shape_cast %mul3A_69 : vector<16xf32> to vector<1x16xf32>
        tpu.vector_store %arg15[%swap3A_70, %swap3A_71], %swap3A_74 {strides = array<i32>} : memref<128x128xf32, #tpu.memory_space<vmem>>, vector<1x16xf32>,
        %get3A_75 = arith.index_cast %scan3A_32 : i32 to index
        %get3A_76 = arith.constant 32 : index
        %get3A_77 = tpu.vector_load %arg15[%get3A_75, %get3A_76] {strides = array<i32>} : memref<128x128xf32, #tpu.memory_space<vmem>>, vector<1x16xf32>,
        %get3A_78 = vector.shape_cast %get3A_77 : vector<1x16xf32> to vector<16xf32>
        %slice3A_79 = vector.extract_strided_slice %select_n3A_46 {offsets = [2], sizes = [1], strides = [1]} : vector<16xf32> to vector<1xf32>
        %squeeze3A_80 = vector.extract %slice3A_79[0] : f32 from vector<1xf32>
        %mul3A_81 = vector.broadcast %squeeze3A_80 : f32 to vector<16xf32>
        %mul3A_82 = arith.mulf %get3A_78, %mul3A_81 : vector<16xf32>
        %swap3A_83 = arith.index_cast %scan3A_32 : i32 to index
        %swap3A_84 = arith.constant 32 : index
        %swap3A_85 = tpu.vector_load %arg15[%swap3A_83, %swap3A_84] {strides = array<i32>} : memref<128x128xf32, #tpu.memory_space<vmem>>, vector<1x16xf32>,
        %swap3A_86 = vector.shape_cast %swap3A_85 : vector<1x16xf32> to vector<16xf32>
        %swap3A_87 = vector.shape_cast %mul3A_82 : vector<16xf32> to vector<1x16xf32>
        tpu.vector_store %arg15[%swap3A_83, %swap3A_84], %swap3A_87 {strides = array<i32>} : memref<128x128xf32, #tpu.memory_space<vmem>>, vector<1x16xf32>,
        %get3A_88 = arith.index_cast %scan3A_32 : i32 to index
        %get3A_89 = arith.constant 48 : index
        %get3A_90 = tpu.vector_load %arg15[%get3A_88, %get3A_89] {strides = array<i32>} : memref<128x128xf32, #tpu.memory_space<vmem>>, vector<1x16xf32>,
        %get3A_91 = vector.shape_cast %get3A_90 : vector<1x16xf32> to vector<16xf32>
        %slice3A_92 = vector.extract_strided_slice %select_n3A_46 {offsets = [3], sizes = [1], strides = [1]} : vector<16xf32> to vector<1xf32>
        %squeeze3A_93 = vector.extract %slice3A_92[0] : f32 from vector<1xf32>
        %mul3A_94 = vector.broadcast %squeeze3A_93 : f32 to vector<16xf32>
        %mul3A_95 = arith.mulf %get3A_91, %mul3A_94 : vector<16xf32>
        %swap3A_96 = arith.index_cast %scan3A_32 : i32 to index
        %swap3A_97 = arith.constant 48 : index
        %swap3A_98 = tpu.vector_load %arg15[%swap3A_96, %swap3A_97] {strides = array<i32>} : memref<128x128xf32, #tpu.memory_space<vmem>>, vector<1x16xf32>,
        %swap3A_99 = vector.shape_cast %swap3A_98 : vector<1x16xf32> to vector<16xf32>
        %swap3A_100 = vector.shape_cast %mul3A_95 : vector<16xf32> to vector<1x16xf32>
        tpu.vector_store %arg15[%swap3A_96, %swap3A_97], %swap3A_100 {strides = array<i32>} : memref<128x128xf32, #tpu.memory_space<vmem>>, vector<1x16xf32>,
        %get3A_101 = arith.index_cast %scan3A_32 : i32 to index
        %get3A_102 = arith.constant 64 : index
        %get3A_103 = tpu.vector_load %arg15[%get3A_101, %get3A_102] {strides = array<i32>} : memref<128x128xf32, #tpu.memory_space<vmem>>, vector<1x16xf32>,
        %get3A_104 = vector.shape_cast %get3A_103 : vector<1x16xf32> to vector<16xf32>
        %slice3A_105 = vector.extract_strided_slice %select_n3A_46 {offsets = [4], sizes = [1], strides = [1]} : vector<16xf32> to vector<1xf32>
        %squeeze3A_106 = vector.extract %slice3A_105[0] : f32 from vector<1xf32>
        %mul3A_107 = vector.broadcast %squeeze3A_106 : f32 to vector<16xf32>
        %mul3A_108 = arith.mulf %get3A_104, %mul3A_107 : vector<16xf32>
        %swap3A_109 = arith.index_cast %scan3A_32 : i32 to index
        %swap3A_110 = arith.constant 64 : index
        %swap3A_111 = tpu.vector_load %arg15[%swap3A_109, %swap3A_110] {strides = array<i32>} : memref<128x128xf32, #tpu.memory_space<vmem>>, vector<1x16xf32>,
        %swap3A_112 = vector.shape_cast %swap3A_111 : vector<1x16xf32> to vector<16xf32>
        %swap3A_113 = vector.shape_cast %mul3A_108 : vector<16xf32> to vector<1x16xf32>
        tpu.vector_store %arg15[%swap3A_109, %swap3A_110], %swap3A_113 {strides = array<i32>} : memref<128x128xf32, #tpu.memory_space<vmem>>, vector<1x16xf32>,
        %get3A_114 = arith.index_cast %scan3A_32 : i32 to index
        %get3A_115 = arith.constant 80 : index
        %get3A_116 = tpu.vector_load %arg15[%get3A_114, %get3A_115] {strides = array<i32>} : memref<128x128xf32, #tpu.memory_space<vmem>>, vector<1x16xf32>,
        %get3A_117 = vector.shape_cast %get3A_116 : vector<1x16xf32> to vector<16xf32>
        %slice3A_118 = vector.extract_strided_slice %select_n3A_46 {offsets = [5], sizes = [1], strides = [1]} : vector<16xf32> to vector<1xf32>
        %squeeze3A_119 = vector.extract %slice3A_118[0] : f32 from vector<1xf32>
        %mul3A_120 = vector.broadcast %squeeze3A_119 : f32 to vector<16xf32>
        %mul3A_121 = arith.mulf %get3A_117, %mul3A_120 : vector<16xf32>
        %swap3A_122 = arith.index_cast %scan3A_32 : i32 to index
        %swap3A_123 = arith.constant 80 : index
        %swap3A_124 = tpu.vector_load %arg15[%swap3A_122, %swap3A_123] {strides = array<i32>} : memref<128x128xf32, #tpu.memory_space<vmem>>, vector<1x16xf32>,
        %swap3A_125 = vector.shape_cast %swap3A_124 : vector<1x16xf32> to vector<16xf32>
        %swap3A_126 = vector.shape_cast %mul3A_121 : vector<16xf32> to vector<1x16xf32>
        tpu.vector_store %arg15[%swap3A_122, %swap3A_123], %swap3A_126 {strides = array<i32>} : memref<128x128xf32, #tpu.memory_space<vmem>>, vector<1x16xf32>,
        %get3A_127 = arith.index_cast %scan3A_32 : i32 to index
        %get3A_128 = arith.constant 96 : index
        %get3A_129 = tpu.vector_load %arg15[%get3A_127, %get3A_128] {strides = array<i32>} : memref<128x128xf32, #tpu.memory_space<vmem>>, vector<1x16xf32>,
        %get3A_130 = vector.shape_cast %get3A_129 : vector<1x16xf32> to vector<16xf32>
        %slice3A_131 = vector.extract_strided_slice %select_n3A_46 {offsets = [6], sizes = [1], strides = [1]} : vector<16xf32> to vector<1xf32>
        %squeeze3A_132 = vector.extract %slice3A_131[0] : f32 from vector<1xf32>
        %mul3A_133 = vector.broadcast %squeeze3A_132 : f32 to vector<16xf32>
        %mul3A_134 = arith.mulf %get3A_130, %mul3A_133 : vector<16xf32>
        %swap3A_135 = arith.index_cast %scan3A_32 : i32 to index
        %swap3A_136 = arith.constant 96 : index
        %swap3A_137 = tpu.vector_load %arg15[%swap3A_135, %swap3A_136] {strides = array<i32>} : memref<128x128xf32, #tpu.memory_space<vmem>>, vector<1x16xf32>,
        %swap3A_138 = vector.shape_cast %swap3A_137 : vector<1x16xf32> to vector<16xf32>
        %swap3A_139 = vector.shape_cast %mul3A_134 : vector<16xf32> to vector<1x16xf32>
        tpu.vector_store %arg15[%swap3A_135, %swap3A_136], %swap3A_139 {strides = array<i32>} : memref<128x128xf32, #tpu.memory_space<vmem>>, vector<1x16xf32>,
        %get3A_140 = arith.index_cast %scan3A_32 : i32 to index
        %get3A_141 = arith.constant 112 : index
        %get3A_142 = tpu.vector_load %arg15[%get3A_140, %get3A_141] {strides = array<i32>} : memref<128x128xf32, #tpu.memory_space<vmem>>, vector<1x16xf32>,
        %get3A_143 = vector.shape_cast %get3A_142 : vector<1x16xf32> to vector<16xf32>
        %slice3A_144 = vector.extract_strided_slice %select_n3A_46 {offsets = [7], sizes = [1], strides = [1]} : vector<16xf32> to vector<1xf32>
        %squeeze3A_145 = vector.extract %slice3A_144[0] : f32 from vector<1xf32>
        %mul3A_146 = vector.broadcast %squeeze3A_145 : f32 to vector<16xf32>
        %mul3A_147 = arith.mulf %get3A_143, %mul3A_146 : vector<16xf32>
        %swap3A_148 = arith.index_cast %scan3A_32 : i32 to index
        %swap3A_149 = arith.constant 112 : index
        %swap3A_150 = tpu.vector_load %arg15[%swap3A_148, %swap3A_149] {strides = array<i32>} : memref<128x128xf32, #tpu.memory_space<vmem>>, vector<1x16xf32>,
        %swap3A_151 = vector.shape_cast %swap3A_150 : vector<1x16xf32> to vector<16xf32>
        %swap3A_152 = vector.shape_cast %mul3A_147 : vector<16xf32> to vector<1x16xf32>
        tpu.vector_store %arg15[%swap3A_148, %swap3A_149], %swap3A_152 {strides = array<i32>} : memref<128x128xf32, #tpu.memory_space<vmem>>, vector<1x16xf32>,
      }
      %scan3A_31 = arith.constant 128 : i32
      "tpu.region"() ({
        %run_scoped3A = tpu.sem_alloc : memref<!tpu.dma_semaphore, #tpu.memory_space<semaphore_mem>>
        %dma_start3A = arith.constant 0 : i32
        %dma_start3A_32 = arith.constant 0 : i32
        %dma_start3A_33 = tpu.memref_slice %arg11[%dma_start3A, %dma_start3A_32] : memref<10112x128xf32, #tpu.memory_space<vmem_shared>> -> memref<10112x128xf32, #tpu.memory_space<vmem_shared>>
        tpu.enqueue_indirect_dma source(%arg15 : memref<128x128xf32, #tpu.memory_space<vmem>>) target(%dma_start3A_33 : memref<10112x128xf32, #tpu.memory_space<vmem_shared>>) offsets(%arg14 : memref<128xi32, #tpu.memory_space<vmem>>) semaphore(%run_scoped3A : memref<!tpu.dma_semaphore, #tpu.memory_space<semaphore_mem>>) {add = true}
        %dma_wait3A = arith.constant 0 : i32
        %dma_wait3A_34 = arith.constant 0 : i32
        %dma_wait3A_35 = tpu.memref_slice %arg11[%dma_wait3A, %dma_wait3A_34] : memref<10112x128xf32, #tpu.memory_space<vmem_shared>> -> memref<10112x128xf32, #tpu.memory_space<vmem_shared>>
        tpu.wait_indirect_dma semaphore(%run_scoped3A : memref<!tpu.dma_semaphore, #tpu.memory_space<semaphore_mem>>) src(%arg15 : memref<128x128xf32, #tpu.memory_space<vmem>>) dst(%dma_wait3A_35 : memref<10112x128xf32, #tpu.memory_space<vmem_shared>>)
        tpu.yield
      }) : () -> ()
      "tpu.region"() ({
        %run_scoped3A = tpu.sem_alloc : memref<!tpu.dma_semaphore, #tpu.memory_space<semaphore_mem>>
        %dma_start3A = arith.constant 0 : i32
        %dma_start3A_32 = arith.constant 0 : i32
        %dma_start3A_33 = tpu.memref_slice %arg12[%dma_start3A, %dma_start3A_32] : memref<10112x16xf32, #tpu.memory_space<vmem_shared>> -> memref<10112x16xf32, #tpu.memory_space<vmem_shared>>
        tpu.enqueue_indirect_dma source(%arg18 : memref<128x16xf32, #tpu.memory_space<vmem>>) target(%dma_start3A_33 : memref<10112x16xf32, #tpu.memory_space<vmem_shared>>) offsets(%arg14 : memref<128xi32, #tpu.memory_space<vmem>>) semaphore(%run_scoped3A : memref<!tpu.dma_semaphore, #tpu.memory_space<semaphore_mem>>) {add = true}
        %dma_wait3A = arith.constant 0 : i32
        %dma_wait3A_34 = arith.constant 0 : i32
        %dma_wait3A_35 = tpu.memref_slice %arg12[%dma_wait3A, %dma_wait3A_34] : memref<10112x16xf32, #tpu.memory_space<vmem_shared>> -> memref<10112x16xf32, #tpu.memory_space<vmem_shared>>
        tpu.wait_indirect_dma semaphore(%run_scoped3A : memref<!tpu.dma_semaphore, #tpu.memory_space<semaphore_mem>>) src(%arg18 : memref<128x16xf32, #tpu.memory_space<vmem>>) dst(%dma_wait3A_35 : memref<10112x16xf32, #tpu.memory_space<vmem_shared>>)
        tpu.yield
      }) : () -> ()
    }
    %scan3A_15 = arith.constant 81 : i32
    %barrier3A_16 = arith.constant 0 : index
    tpu.barrier barrier_id(%barrier3A_16)
    %mul3A_17 = arith.constant 632 : i32
    %mul3A_18 = arith.muli %arg1, %mul3A_17 : i32
    %mul3A_19 = arith.constant 632 : i32
    %mul3A_20 = arith.muli %arg1, %mul3A_19 : i32
    "tpu.region"() ({
      %run_scoped3A = tpu.sem_alloc : memref<!tpu.dma_semaphore, #tpu.memory_space<semaphore_mem>>
      %dma_start3A = arith.constant 0 : i32
      %dma_start3A_25 = tpu.memref_slice %arg9[%arg0, %mul3A_20, %dma_start3A] : memref<2x10112x128xf32, #tpu.memory_space<hbm>> -> memref<1x632x128xf32, #tpu.memory_space<hbm>>
      %dma_start3A_26 = tpu.memref_squeeze %dma_start3A_25 : memref<1x632x128xf32, #tpu.memory_space<hbm>> -> memref<632x128xf32, #tpu.memory_space<hbm>>
      %dma_start3A_27 = arith.constant 0 : i32
      %dma_start3A_28 = tpu.memref_slice %arg11[%mul3A_18, %dma_start3A_27] : memref<10112x128xf32, #tpu.memory_space<vmem_shared>> -> memref<632x128xf32, #tpu.memory_space<vmem_shared>>
      tpu.enqueue_dma source(%dma_start3A_28 : memref<632x128xf32, #tpu.memory_space<vmem_shared>>) target(%dma_start3A_26 : memref<632x128xf32, #tpu.memory_space<hbm>>) target_semaphore(%run_scoped3A : memref<!tpu.dma_semaphore, #tpu.memory_space<semaphore_mem>>)
      %dma_wait3A = arith.constant 0 : i32
      %dma_wait3A_29 = tpu.memref_slice %arg9[%arg0, %mul3A_20, %dma_wait3A] : memref<2x10112x128xf32, #tpu.memory_space<hbm>> -> memref<1x632x128xf32, #tpu.memory_space<hbm>>
      %dma_wait3A_30 = tpu.memref_squeeze %dma_wait3A_29 : memref<1x632x128xf32, #tpu.memory_space<hbm>> -> memref<632x128xf32, #tpu.memory_space<hbm>>
      %dma_wait3A_31 = arith.constant 0 : i32
      %dma_wait3A_32 = tpu.memref_slice %arg11[%mul3A_18, %dma_wait3A_31] : memref<10112x128xf32, #tpu.memory_space<vmem_shared>> -> memref<632x128xf32, #tpu.memory_space<vmem_shared>>
      tpu.wait_dma2 semaphore(%run_scoped3A : memref<!tpu.dma_semaphore, #tpu.memory_space<semaphore_mem>>) src(%dma_wait3A_32 : memref<632x128xf32, #tpu.memory_space<vmem_shared>>) dst(%dma_wait3A_30 : memref<632x128xf32, #tpu.memory_space<hbm>>)
      tpu.yield
    }) : () -> ()
    %mul3A_21 = arith.constant 632 : i32
    %mul3A_22 = arith.muli %arg1, %mul3A_21 : i32
    %mul3A_23 = arith.constant 632 : i32
    %mul3A_24 = arith.muli %arg1, %mul3A_23 : i32
    "tpu.region"() ({
      %run_scoped3A = tpu.sem_alloc : memref<!tpu.dma_semaphore, #tpu.memory_space<semaphore_mem>>
      %dma_start3A = arith.constant 0 : i32
      %dma_start3A_25 = tpu.memref_slice %arg10[%arg0, %mul3A_24, %dma_start3A] : memref<2x10112x16xf32, #tpu.memory_space<hbm>> -> memref<1x632x16xf32, #tpu.memory_space<hbm>>
      %dma_start3A_26 = tpu.memref_squeeze %dma_start3A_25 : memref<1x632x16xf32, #tpu.memory_space<hbm>> -> memref<632x16xf32, #tpu.memory_space<hbm>>
      %dma_start3A_27 = arith.constant 0 : i32
      %dma_start3A_28 = tpu.memref_slice %arg12[%mul3A_22, %dma_start3A_27] : memref<10112x16xf32, #tpu.memory_space<vmem_shared>> -> memref<632x16xf32, #tpu.memory_space<vmem_shared>>
      tpu.enqueue_dma source(%dma_start3A_28 : memref<632x16xf32, #tpu.memory_space<vmem_shared>>) target(%dma_start3A_26 : memref<632x16xf32, #tpu.memory_space<hbm>>) target_semaphore(%run_scoped3A : memref<!tpu.dma_semaphore, #tpu.memory_space<semaphore_mem>>)
      %dma_wait3A = arith.constant 0 : i32
      %dma_wait3A_29 = tpu.memref_slice %arg10[%arg0, %mul3A_24, %dma_wait3A] : memref<2x10112x16xf32, #tpu.memory_space<hbm>> -> memref<1x632x16xf32, #tpu.memory_space<hbm>>
      %dma_wait3A_30 = tpu.memref_squeeze %dma_wait3A_29 : memref<1x632x16xf32, #tpu.memory_space<hbm>> -> memref<632x16xf32, #tpu.memory_space<hbm>>
      %dma_wait3A_31 = arith.constant 0 : i32
      %dma_wait3A_32 = tpu.memref_slice %arg12[%mul3A_22, %dma_wait3A_31] : memref<10112x16xf32, #tpu.memory_space<vmem_shared>> -> memref<632x16xf32, #tpu.memory_space<vmem_shared>>
      tpu.wait_dma2 semaphore(%run_scoped3A : memref<!tpu.dma_semaphore, #tpu.memory_space<semaphore_mem>>) src(%dma_wait3A_32 : memref<632x16xf32, #tpu.memory_space<vmem_shared>>) dst(%dma_wait3A_30 : memref<632x16xf32, #tpu.memory_space<hbm>>)
      tpu.yield
    }) : () -> ()
    return
  }
}

module attributes {stable_mosaic.version = 14 : i64} {
  func.func @_stats_body(%arg0: i32, %arg1: memref<2000x128xf32, #tpu.memory_space<vmem>>, %arg2: memref<1x128xf32, #tpu.memory_space<vmem>>, %arg3: memref<1x128xf32, #tpu.memory_space<vmem>>) attributes {dimension_semantics = [#tpu.dimension_semantics<arbitrary>], iteration_bounds = array<i64: 5>, scalar_prefetch = 0 : i64, scratch_operands = 0 : i64, tpu.core_type = #tpu.core_type<tc>, window_params = [{transform_indices = @transform_0, window_bounds = array<i64: 2000, 128>}, {pipeline_mode = #tpu.pipeline_mode<synchronous>, transform_indices = @transform_1, window_bounds = array<i64: 1, 128>}, {pipeline_mode = #tpu.pipeline_mode<synchronous>, transform_indices = @transform_2, window_bounds = array<i64: 1, 128>}]} {
    %eq3A = arith.constant 0 : i32
    %eq3A_0 = arith.cmpi eq, %arg0, %eq3A : i32
    %convert_element_type3A = arith.extui %eq3A_0 : i1 to i32
    %cond3A = arith.constant 0 : i32
    %cond3A_1 = arith.cmpi ne, %convert_element_type3A, %cond3A : i32
    scf.if %cond3A_1 {
      %broadcast_in_dim3A_20 = arith.constant 0.000000e+00 : f32
      %broadcast_in_dim3A_21 = vector.broadcast %broadcast_in_dim3A_20 : f32 to vector<1x128xf32>
      %swap3A_22 = arith.constant 0 : index
      %swap3A_23 = arith.constant 0 : index
      %swap3A_24 = vector.load %arg2[%swap3A_22, %swap3A_23] : memref<1x128xf32, #tpu.memory_space<vmem>>, vector<1x128xf32>
      tpu.vector_store %arg2[%swap3A_22, %swap3A_23], %broadcast_in_dim3A_21 {strides = array<i32>} : memref<1x128xf32, #tpu.memory_space<vmem>>, vector<1x128xf32>,
      %broadcast_in_dim3A_25 = arith.constant 0.000000e+00 : f32
      %broadcast_in_dim3A_26 = vector.broadcast %broadcast_in_dim3A_25 : f32 to vector<1x128xf32>
      %swap3A_27 = arith.constant 0 : index
      %swap3A_28 = arith.constant 0 : index
      %swap3A_29 = vector.load %arg3[%swap3A_27, %swap3A_28] : memref<1x128xf32, #tpu.memory_space<vmem>>, vector<1x128xf32>
      tpu.vector_store %arg3[%swap3A_27, %swap3A_28], %broadcast_in_dim3A_26 {strides = array<i32>} : memref<1x128xf32, #tpu.memory_space<vmem>>, vector<1x128xf32>,
    } else {
    }
    %get3A = arith.constant 0 : index
    %get3A_2 = arith.constant 0 : index
    %get3A_3 = vector.load %arg1[%get3A, %get3A_2] : memref<2000x128xf32, #tpu.memory_space<vmem>>, vector<2000x128xf32>
    %get3A_4 = arith.constant 0 : index
    %get3A_5 = arith.constant 0 : index
    %get3A_6 = vector.load %arg2[%get3A_4, %get3A_5] : memref<1x128xf32, #tpu.memory_space<vmem>>, vector<1x128xf32>
    %reduce_sum3A = arith.constant dense<0.000000e+00> : vector<128xf32>
    %reduce_sum3A_7 = vector.multi_reduction <add>, %get3A_3, %reduce_sum3A [0] : vector<2000x128xf32> to vector<128xf32>
    %broadcast_in_dim3A = vector.shape_cast %reduce_sum3A_7 : vector<128xf32> to vector<1x128xf32>
    %add3A = arith.addf %get3A_6, %broadcast_in_dim3A : vector<1x128xf32>
    %swap3A = arith.constant 0 : index
    %swap3A_8 = arith.constant 0 : index
    %swap3A_9 = vector.load %arg2[%swap3A, %swap3A_8] : memref<1x128xf32, #tpu.memory_space<vmem>>, vector<1x128xf32>
    tpu.vector_store %arg2[%swap3A, %swap3A_8], %add3A {strides = array<i32>} : memref<1x128xf32, #tpu.memory_space<vmem>>, vector<1x128xf32>,
    %get3A_10 = arith.constant 0 : index
    %get3A_11 = arith.constant 0 : index
    %get3A_12 = vector.load %arg3[%get3A_10, %get3A_11] : memref<1x128xf32, #tpu.memory_space<vmem>>, vector<1x128xf32>
    %mul3A = arith.mulf %get3A_3, %get3A_3 : vector<2000x128xf32>
    %reduce_sum3A_13 = arith.constant dense<0.000000e+00> : vector<128xf32>
    %reduce_sum3A_14 = vector.multi_reduction <add>, %mul3A, %reduce_sum3A_13 [0] : vector<2000x128xf32> to vector<128xf32>
    %broadcast_in_dim3A_15 = vector.shape_cast %reduce_sum3A_14 : vector<128xf32> to vector<1x128xf32>
    %add3A_16 = arith.addf %get3A_12, %broadcast_in_dim3A_15 : vector<1x128xf32>
    %swap3A_17 = arith.constant 0 : index
    %swap3A_18 = arith.constant 0 : index
    %swap3A_19 = vector.load %arg3[%swap3A_17, %swap3A_18] : memref<1x128xf32, #tpu.memory_space<vmem>>, vector<1x128xf32>
    tpu.vector_store %arg3[%swap3A_17, %swap3A_18], %add3A_16 {strides = array<i32>} : memref<1x128xf32, #tpu.memory_space<vmem>>, vector<1x128xf32>,
    return
  }
  func.func @transform_0(%arg0: i32) -> (i32, i32) {
    %c0_i32 = arith.constant 0 : i32
    %c0_i32_0 = arith.constant 0 : i32
    return %arg0, %c0_i32 : i32, i32
  }
  func.func @transform_1(%arg0: i32) -> (i32, i32) {
    %c0_i32 = arith.constant 0 : i32
    %c0_i32_0 = arith.constant 0 : i32
    %c0_i32_1 = arith.constant 0 : i32
    return %c0_i32, %c0_i32_0 : i32, i32
  }
  func.func @transform_2(%arg0: i32) -> (i32, i32) {
    %c0_i32 = arith.constant 0 : i32
    %c0_i32_0 = arith.constant 0 : i32
    %c0_i32_1 = arith.constant 0 : i32
    return %c0_i32, %c0_i32_0 : i32, i32
  }
}

module attributes {stable_mosaic.version = 14 : i64} {
  func.func @_bn_mm_scores_body(%arg0: i32, %arg1: memref<2000x128xf32, #tpu.memory_space<vmem>>, %arg2: memref<1x128xf32, #tpu.memory_space<vmem>>, %arg3: memref<1x128xf32, #tpu.memory_space<vmem>>, %arg4: memref<128x128xf32, #tpu.memory_space<vmem>>, %arg5: memref<1x128xf32, #tpu.memory_space<vmem>>, %arg6: memref<1x128xf32, #tpu.memory_space<vmem>>, %arg7: memref<1x128xf32, #tpu.memory_space<vmem>>, %arg8: memref<1x128xf32, #tpu.memory_space<vmem>>, %arg9: memref<128x16xf32, #tpu.memory_space<vmem>>, %arg10: memref<2000x128xf32, #tpu.memory_space<vmem>>, %arg11: memref<2000x16xf32, #tpu.memory_space<vmem>>, %arg12: memref<2000x16xf32, #tpu.memory_space<vmem>>) attributes {dimension_semantics = [#tpu.dimension_semantics<arbitrary>], iteration_bounds = array<i64: 5>, scalar_prefetch = 0 : i64, scratch_operands = 0 : i64, tpu.core_type = #tpu.core_type<tc>, window_params = [{transform_indices = @transform_0, window_bounds = array<i64: 2000, 128>}, {pipeline_mode = #tpu.pipeline_mode<synchronous>, transform_indices = @transform_1, window_bounds = array<i64: 1, 128>}, {pipeline_mode = #tpu.pipeline_mode<synchronous>, transform_indices = @transform_2, window_bounds = array<i64: 1, 128>}, {pipeline_mode = #tpu.pipeline_mode<synchronous>, transform_indices = @transform_3, window_bounds = array<i64: 128, 128>}, {pipeline_mode = #tpu.pipeline_mode<synchronous>, transform_indices = @transform_4, window_bounds = array<i64: 1, 128>}, {pipeline_mode = #tpu.pipeline_mode<synchronous>, transform_indices = @transform_5, window_bounds = array<i64: 1, 128>}, {pipeline_mode = #tpu.pipeline_mode<synchronous>, transform_indices = @transform_6, window_bounds = array<i64: 1, 128>}, {pipeline_mode = #tpu.pipeline_mode<synchronous>, transform_indices = @transform_7, window_bounds = array<i64: 1, 128>}, {pipeline_mode = #tpu.pipeline_mode<synchronous>, transform_indices = @transform_8, window_bounds = array<i64: 128, 16>}, {transform_indices = @transform_9, window_bounds = array<i64: 2000, 128>}, {transform_indices = @transform_10, window_bounds = array<i64: 2000, 16>}, {transform_indices = @transform_11, window_bounds = array<i64: 2000, 16>}]} {
    %get3A = arith.constant 0 : index
    %get3A_0 = arith.constant 0 : index
    %get3A_1 = vector.load %arg2[%get3A, %get3A_0] : memref<1x128xf32, #tpu.memory_space<vmem>>, vector<1x128xf32>
    %div3A = arith.constant 1.000000e+04 : f32
    %div3A_2 = vector.broadcast %div3A : f32 to vector<1x128xf32>
    %div3A_3 = arith.divf %get3A_1, %div3A_2 : vector<1x128xf32>
    %get3A_4 = arith.constant 0 : index
    %get3A_5 = arith.constant 0 : index
    %get3A_6 = vector.load %arg3[%get3A_4, %get3A_5] : memref<1x128xf32, #tpu.memory_space<vmem>>, vector<1x128xf32>
    %div3A_7 = arith.constant 1.000000e+04 : f32
    %div3A_8 = vector.broadcast %div3A_7 : f32 to vector<1x128xf32>
    %div3A_9 = arith.divf %get3A_6, %div3A_8 : vector<1x128xf32>
    %mul3A = arith.mulf %div3A_3, %div3A_3 : vector<1x128xf32>
    %sub3A = arith.subf %div3A_9, %mul3A : vector<1x128xf32>
    %get3A_10 = arith.constant 0 : index
    %get3A_11 = arith.constant 0 : index
    %get3A_12 = vector.load %arg1[%get3A_10, %get3A_11] : memref<2000x128xf32, #tpu.memory_space<vmem>>, vector<2000x128xf32>
    %sub3A_13 = vector.broadcast %div3A_3 : vector<1x128xf32> to vector<2000x128xf32>
    %sub3A_14 = arith.subf %get3A_12, %sub3A_13 : vector<2000x128xf32>
    %add3A = arith.constant 9.99999974E-6 : f32
    %add3A_15 = vector.broadcast %add3A : f32 to vector<1x128xf32>
    %add3A_16 = arith.addf %sub3A, %add3A_15 : vector<1x128xf32>
    %rsqrt3A = math.rsqrt %add3A_16 : vector<1x128xf32>
    %mul3A_17 = vector.broadcast %rsqrt3A : vector<1x128xf32> to vector<2000x128xf32>
    %mul3A_18 = arith.mulf %sub3A_14, %mul3A_17 : vector<2000x128xf32>
    %get3A_19 = arith.constant 0 : index
    %get3A_20 = arith.constant 0 : index
    %get3A_21 = vector.load %arg5[%get3A_19, %get3A_20] : memref<1x128xf32, #tpu.memory_space<vmem>>, vector<1x128xf32>
    %mul3A_22 = vector.broadcast %get3A_21 : vector<1x128xf32> to vector<2000x128xf32>
    %mul3A_23 = arith.mulf %mul3A_18, %mul3A_22 : vector<2000x128xf32>
    %get3A_24 = arith.constant 0 : index
    %get3A_25 = arith.constant 0 : index
    %get3A_26 = vector.load %arg6[%get3A_24, %get3A_25] : memref<1x128xf32, #tpu.memory_space<vmem>>, vector<1x128xf32>
    %add3A_27 = vector.broadcast %get3A_26 : vector<1x128xf32> to vector<2000x128xf32>
    %add3A_28 = arith.addf %mul3A_23, %add3A_27 : vector<2000x128xf32>
    %get3A_29 = arith.constant 0 : index
    %get3A_30 = arith.constant 0 : index
    %get3A_31 = vector.load %arg4[%get3A_29, %get3A_30] : memref<128x128xf32, #tpu.memory_space<vmem>>, vector<128x128xf32>
    %dot_general3A = arith.constant dense<0.000000e+00> : vector<2000x128xf32>
    %dot_general3A_32 = tpu.matmul %add3A_28, %get3A_31, %dot_general3A {dimension_numbers = #tpu.dot_dimension_numbers<[1], [0], [0], [1], [0, 0, 1, 1], [], []>, transpose_lhs_hint = false} : vector<2000x128xf32>, vector<128x128xf32>, vector<2000x128xf32> -> vector<2000x128xf32>
    %swap3A = arith.constant 0 : index
    %swap3A_33 = arith.constant 0 : index
    %swap3A_34 = vector.load %arg10[%swap3A, %swap3A_33] : memref<2000x128xf32, #tpu.memory_space<vmem>>, vector<2000x128xf32>
    tpu.vector_store %arg10[%swap3A, %swap3A_33], %dot_general3A_32 {strides = array<i32>} : memref<2000x128xf32, #tpu.memory_space<vmem>>, vector<2000x128xf32>,
    %get3A_35 = arith.constant 0 : index
    %get3A_36 = arith.constant 0 : index
    %get3A_37 = vector.load %arg7[%get3A_35, %get3A_36] : memref<1x128xf32, #tpu.memory_space<vmem>>, vector<1x128xf32>
    %mul3A_38 = vector.broadcast %get3A_37 : vector<1x128xf32> to vector<2000x128xf32>
    %mul3A_39 = arith.mulf %dot_general3A_32, %mul3A_38 : vector<2000x128xf32>
    %get3A_40 = arith.constant 0 : index
    %get3A_41 = arith.constant 0 : index
    %get3A_42 = vector.load %arg9[%get3A_40, %get3A_41] : memref<128x16xf32, #tpu.memory_space<vmem>>, vector<128x16xf32>
    %dot_general3A_43 = arith.constant dense<0.000000e+00> : vector<2000x16xf32>
    %dot_general3A_44 = tpu.matmul %mul3A_39, %get3A_42, %dot_general3A_43 {dimension_numbers = #tpu.dot_dimension_numbers<[1], [0], [0], [1], [0, 0, 1, 1], [], []>, transpose_lhs_hint = false} : vector<2000x128xf32>, vector<128x16xf32>, vector<2000x16xf32> -> vector<2000x16xf32>
    %swap3A_45 = arith.constant 0 : index
    %swap3A_46 = arith.constant 0 : index
    %swap3A_47 = vector.load %arg11[%swap3A_45, %swap3A_46] : memref<2000x16xf32, #tpu.memory_space<vmem>>, vector<2000x16xf32>
    tpu.vector_store %arg11[%swap3A_45, %swap3A_46], %dot_general3A_44 {strides = array<i32>} : memref<2000x16xf32, #tpu.memory_space<vmem>>, vector<2000x16xf32>,
    %get3A_48 = arith.constant 0 : index
    %get3A_49 = arith.constant 0 : index
    %get3A_50 = vector.load %arg8[%get3A_48, %get3A_49] : memref<1x128xf32, #tpu.memory_space<vmem>>, vector<1x128xf32>
    %mul3A_51 = vector.broadcast %get3A_50 : vector<1x128xf32> to vector<2000x128xf32>
    %mul3A_52 = arith.mulf %dot_general3A_32, %mul3A_51 : vector<2000x128xf32>
    %get3A_53 = arith.constant 0 : index
    %get3A_54 = arith.constant 0 : index
    %get3A_55 = vector.load %arg9[%get3A_53, %get3A_54] : memref<128x16xf32, #tpu.memory_space<vmem>>, vector<128x16xf32>
    %dot_general3A_56 = arith.constant dense<0.000000e+00> : vector<2000x16xf32>
    %dot_general3A_57 = tpu.matmul %mul3A_52, %get3A_55, %dot_general3A_56 {dimension_numbers = #tpu.dot_dimension_numbers<[1], [0], [0], [1], [0, 0, 1, 1], [], []>, transpose_lhs_hint = false} : vector<2000x128xf32>, vector<128x16xf32>, vector<2000x16xf32> -> vector<2000x16xf32>
    %swap3A_58 = arith.constant 0 : index
    %swap3A_59 = arith.constant 0 : index
    %swap3A_60 = vector.load %arg12[%swap3A_58, %swap3A_59] : memref<2000x16xf32, #tpu.memory_space<vmem>>, vector<2000x16xf32>
    tpu.vector_store %arg12[%swap3A_58, %swap3A_59], %dot_general3A_57 {strides = array<i32>} : memref<2000x16xf32, #tpu.memory_space<vmem>>, vector<2000x16xf32>,
    return
  }
  func.func @transform_0(%arg0: i32) -> (i32, i32) {
    %c0_i32 = arith.constant 0 : i32
    %c0_i32_0 = arith.constant 0 : i32
    return %arg0, %c0_i32 : i32, i32
  }
  func.func @transform_1(%arg0: i32) -> (i32, i32) {
    %c0_i32 = arith.constant 0 : i32
    %c0_i32_0 = arith.constant 0 : i32
    %c0_i32_1 = arith.constant 0 : i32
    return %c0_i32, %c0_i32_0 : i32, i32
  }
  func.func @transform_2(%arg0: i32) -> (i32, i32) {
    %c0_i32 = arith.constant 0 : i32
    %c0_i32_0 = arith.constant 0 : i32
    %c0_i32_1 = arith.constant 0 : i32
    return %c0_i32, %c0_i32_0 : i32, i32
  }
  func.func @transform_3(%arg0: i32) -> (i32, i32) {
    %c0_i32 = arith.constant 0 : i32
    %c0_i32_0 = arith.constant 0 : i32
    %c0_i32_1 = arith.constant 0 : i32
    return %c0_i32, %c0_i32_0 : i32, i32
  }
  func.func @transform_4(%arg0: i32) -> (i32, i32) {
    %c0_i32 = arith.constant 0 : i32
    %c0_i32_0 = arith.constant 0 : i32
    %c0_i32_1 = arith.constant 0 : i32
    return %c0_i32, %c0_i32_0 : i32, i32
  }
  func.func @transform_5(%arg0: i32) -> (i32, i32) {
    %c0_i32 = arith.constant 0 : i32
    %c0_i32_0 = arith.constant 0 : i32
    %c0_i32_1 = arith.constant 0 : i32
    return %c0_i32, %c0_i32_0 : i32, i32
  }
  func.func @transform_6(%arg0: i32) -> (i32, i32) {
    %c0_i32 = arith.constant 0 : i32
    %c0_i32_0 = arith.constant 0 : i32
    %c0_i32_1 = arith.constant 0 : i32
    return %c0_i32, %c0_i32_0 : i32, i32
  }
  func.func @transform_7(%arg0: i32) -> (i32, i32) {
    %c0_i32 = arith.constant 0 : i32
    %c0_i32_0 = arith.constant 0 : i32
    %c0_i32_1 = arith.constant 0 : i32
    return %c0_i32, %c0_i32_0 : i32, i32
  }
  func.func @transform_8(%arg0: i32) -> (i32, i32) {
    %c0_i32 = arith.constant 0 : i32
    %c0_i32_0 = arith.constant 0 : i32
    %c0_i32_1 = arith.constant 0 : i32
    return %c0_i32, %c0_i32_0 : i32, i32
  }
  func.func @transform_9(%arg0: i32) -> (i32, i32) {
    %c0_i32 = arith.constant 0 : i32
    %c0_i32_0 = arith.constant 0 : i32
    return %arg0, %c0_i32 : i32, i32
  }
  func.func @transform_10(%arg0: i32) -> (i32, i32) {
    %c0_i32 = arith.constant 0 : i32
    %c0_i32_0 = arith.constant 0 : i32
    return %arg0, %c0_i32 : i32, i32
  }
  func.func @transform_11(%arg0: i32) -> (i32, i32) {
    %c0_i32 = arith.constant 0 : i32
    %c0_i32_0 = arith.constant 0 : i32
    return %arg0, %c0_i32 : i32, i32
  }
}

module attributes {stable_mosaic.version = 14 : i64} {
  func.func @_combine_act_stats_body(%arg0: i32, %arg1: memref<2000x128xf32, #tpu.memory_space<vmem>>, %arg2: memref<2000x128xf32, #tpu.memory_space<vmem>>, %arg3: memref<2000x16xf32, #tpu.memory_space<vmem>>, %arg4: memref<2000x16xf32, #tpu.memory_space<vmem>>, %arg5: memref<1x128xf32, #tpu.memory_space<vmem>>, %arg6: memref<16x128xf32, #tpu.memory_space<vmem>>, %arg7: memref<2000x128xf32, #tpu.memory_space<vmem>>, %arg8: memref<1x128xf32, #tpu.memory_space<vmem>>, %arg9: memref<1x128xf32, #tpu.memory_space<vmem>>) attributes {dimension_semantics = [#tpu.dimension_semantics<arbitrary>], iteration_bounds = array<i64: 5>, scalar_prefetch = 0 : i64, scratch_operands = 0 : i64, tpu.core_type = #tpu.core_type<tc>, window_params = [{transform_indices = @transform_0, window_bounds = array<i64: 2000, 128>}, {transform_indices = @transform_1, window_bounds = array<i64: 2000, 128>}, {transform_indices = @transform_2, window_bounds = array<i64: 2000, 16>}, {transform_indices = @transform_3, window_bounds = array<i64: 2000, 16>}, {pipeline_mode = #tpu.pipeline_mode<synchronous>, transform_indices = @transform_4, window_bounds = array<i64: 1, 128>}, {pipeline_mode = #tpu.pipeline_mode<synchronous>, transform_indices = @transform_5, window_bounds = array<i64: 16, 128>}, {transform_indices = @transform_6, window_bounds = array<i64: 2000, 128>}, {pipeline_mode = #tpu.pipeline_mode<synchronous>, transform_indices = @transform_7, window_bounds = array<i64: 1, 128>}, {pipeline_mode = #tpu.pipeline_mode<synchronous>, transform_indices = @transform_8, window_bounds = array<i64: 1, 128>}]} {
    %eq3A = arith.constant 0 : i32
    %eq3A_0 = arith.cmpi eq, %arg0, %eq3A : i32
    %convert_element_type3A = arith.extui %eq3A_0 : i1 to i32
    %cond3A = arith.constant 0 : i32
    %cond3A_1 = arith.cmpi ne, %convert_element_type3A, %cond3A : i32
    scf.if %cond3A_1 {
      %broadcast_in_dim3A_52 = arith.constant 0.000000e+00 : f32
      %broadcast_in_dim3A_53 = vector.broadcast %broadcast_in_dim3A_52 : f32 to vector<1x128xf32>
      %swap3A_54 = arith.constant 0 : index
      %swap3A_55 = arith.constant 0 : index
      %swap3A_56 = vector.load %arg8[%swap3A_54, %swap3A_55] : memref<1x128xf32, #tpu.memory_space<vmem>>, vector<1x128xf32>
      tpu.vector_store %arg8[%swap3A_54, %swap3A_55], %broadcast_in_dim3A_53 {strides = array<i32>} : memref<1x128xf32, #tpu.memory_space<vmem>>, vector<1x128xf32>,
      %broadcast_in_dim3A_57 = arith.constant 0.000000e+00 : f32
      %broadcast_in_dim3A_58 = vector.broadcast %broadcast_in_dim3A_57 : f32 to vector<1x128xf32>
      %swap3A_59 = arith.constant 0 : index
      %swap3A_60 = arith.constant 0 : index
      %swap3A_61 = vector.load %arg9[%swap3A_59, %swap3A_60] : memref<1x128xf32, #tpu.memory_space<vmem>>, vector<1x128xf32>
      tpu.vector_store %arg9[%swap3A_59, %swap3A_60], %broadcast_in_dim3A_58 {strides = array<i32>} : memref<1x128xf32, #tpu.memory_space<vmem>>, vector<1x128xf32>,
    } else {
    }
    %get3A = arith.constant 0 : index
    %get3A_2 = arith.constant 0 : index
    %get3A_3 = vector.load %arg1[%get3A, %get3A_2] : memref<2000x128xf32, #tpu.memory_space<vmem>>, vector<2000x128xf32>
    %get3A_4 = arith.constant 0 : index
    %get3A_5 = arith.constant 0 : index
    %get3A_6 = vector.load %arg2[%get3A_4, %get3A_5] : memref<2000x128xf32, #tpu.memory_space<vmem>>, vector<2000x128xf32>
    %add3A = arith.addf %get3A_3, %get3A_6 : vector<2000x128xf32>
    %get3A_7 = arith.constant 0 : index
    %get3A_8 = arith.constant 0 : index
    %get3A_9 = vector.load %arg3[%get3A_7, %get3A_8] : memref<2000x16xf32, #tpu.memory_space<vmem>>, vector<2000x16xf32>
    %get3A_10 = arith.constant 0 : index
    %get3A_11 = arith.constant 0 : index
    %get3A_12 = vector.load %arg4[%get3A_10, %get3A_11] : memref<2000x16xf32, #tpu.memory_space<vmem>>, vector<2000x16xf32>
    %add3A_13 = arith.addf %get3A_9, %get3A_12 : vector<2000x16xf32>
    %get3A_14 = arith.constant 0 : index
    %get3A_15 = arith.constant 0 : index
    %get3A_16 = vector.load %arg6[%get3A_14, %get3A_15] : memref<16x128xf32, #tpu.memory_space<vmem>>, vector<16x128xf32>
    %dot_general3A = arith.constant dense<0.000000e+00> : vector<2000x128xf32>
    %dot_general3A_17 = tpu.matmul %add3A_13, %get3A_16, %dot_general3A {dimension_numbers = #tpu.dot_dimension_numbers<[1], [0], [0], [1], [0, 0, 1, 1], [], []>, transpose_lhs_hint = false} : vector<2000x16xf32>, vector<16x128xf32>, vector<2000x128xf32> -> vector<2000x128xf32>
    %add3A_18 = arith.constant 1.000000e-16 : f32
    %add3A_19 = vector.broadcast %add3A_18 : f32 to vector<2000x128xf32>
    %add3A_20 = arith.addf %dot_general3A_17, %add3A_19 : vector<2000x128xf32>
    %div3A = arith.divf %add3A, %add3A_20 : vector<2000x128xf32>
    %get3A_21 = arith.constant 0 : index
    %get3A_22 = arith.constant 0 : index
    %get3A_23 = vector.load %arg5[%get3A_21, %get3A_22] : memref<1x128xf32, #tpu.memory_space<vmem>>, vector<1x128xf32>
    %add3A_24 = vector.broadcast %get3A_23 : vector<1x128xf32> to vector<2000x128xf32>
    %add3A_25 = arith.addf %div3A, %add3A_24 : vector<2000x128xf32>
    %gt3A = arith.constant 0.000000e+00 : f32
    %gt3A_26 = vector.broadcast %gt3A : f32 to vector<2000x128xf32>
    %gt3A_27 = arith.cmpf ogt, %add3A_25, %gt3A_26 : vector<2000x128xf32>
    %min3A = arith.constant 0.000000e+00 : f32
    %min3A_28 = vector.broadcast %min3A : f32 to vector<2000x128xf32>
    %min3A_29 = arith.minimumf %add3A_25, %min3A_28 : vector<2000x128xf32>
    %exp3A = math.exp %min3A_29 : vector<2000x128xf32>
    %sub3A = arith.constant 1.000000e+00 : f32
    %sub3A_30 = vector.broadcast %sub3A : f32 to vector<2000x128xf32>
    %sub3A_31 = arith.subf %exp3A, %sub3A_30 : vector<2000x128xf32>
    %select_n3A = arith.select %gt3A_27, %add3A_25, %sub3A_31 : vector<2000x128xi1>, vector<2000x128xf32>
    %swap3A = arith.constant 0 : index
    %swap3A_32 = arith.constant 0 : index
    %swap3A_33 = vector.load %arg7[%swap3A, %swap3A_32] : memref<2000x128xf32, #tpu.memory_space<vmem>>, vector<2000x128xf32>
    tpu.vector_store %arg7[%swap3A, %swap3A_32], %select_n3A {strides = array<i32>} : memref<2000x128xf32, #tpu.memory_space<vmem>>, vector<2000x128xf32>,
    %get3A_34 = arith.constant 0 : index
    %get3A_35 = arith.constant 0 : index
    %get3A_36 = vector.load %arg8[%get3A_34, %get3A_35] : memref<1x128xf32, #tpu.memory_space<vmem>>, vector<1x128xf32>
    %reduce_sum3A = arith.constant dense<0.000000e+00> : vector<128xf32>
    %reduce_sum3A_37 = vector.multi_reduction <add>, %select_n3A, %reduce_sum3A [0] : vector<2000x128xf32> to vector<128xf32>
    %broadcast_in_dim3A = vector.shape_cast %reduce_sum3A_37 : vector<128xf32> to vector<1x128xf32>
    %add3A_38 = arith.addf %get3A_36, %broadcast_in_dim3A : vector<1x128xf32>
    %swap3A_39 = arith.constant 0 : index
    %swap3A_40 = arith.constant 0 : index
    %swap3A_41 = vector.load %arg8[%swap3A_39, %swap3A_40] : memref<1x128xf32, #tpu.memory_space<vmem>>, vector<1x128xf32>
    tpu.vector_store %arg8[%swap3A_39, %swap3A_40], %add3A_38 {strides = array<i32>} : memref<1x128xf32, #tpu.memory_space<vmem>>, vector<1x128xf32>,
    %get3A_42 = arith.constant 0 : index
    %get3A_43 = arith.constant 0 : index
    %get3A_44 = vector.load %arg9[%get3A_42, %get3A_43] : memref<1x128xf32, #tpu.memory_space<vmem>>, vector<1x128xf32>
    %mul3A = arith.mulf %select_n3A, %select_n3A : vector<2000x128xf32>
    %reduce_sum3A_45 = arith.constant dense<0.000000e+00> : vector<128xf32>
    %reduce_sum3A_46 = vector.multi_reduction <add>, %mul3A, %reduce_sum3A_45 [0] : vector<2000x128xf32> to vector<128xf32>
    %broadcast_in_dim3A_47 = vector.shape_cast %reduce_sum3A_46 : vector<128xf32> to vector<1x128xf32>
    %add3A_48 = arith.addf %get3A_44, %broadcast_in_dim3A_47 : vector<1x128xf32>
    %swap3A_49 = arith.constant 0 : index
    %swap3A_50 = arith.constant 0 : index
    %swap3A_51 = vector.load %arg9[%swap3A_49, %swap3A_50] : memref<1x128xf32, #tpu.memory_space<vmem>>, vector<1x128xf32>
    tpu.vector_store %arg9[%swap3A_49, %swap3A_50], %add3A_48 {strides = array<i32>} : memref<1x128xf32, #tpu.memory_space<vmem>>, vector<1x128xf32>,
    return
  }
  func.func @transform_0(%arg0: i32) -> (i32, i32) {
    %c0_i32 = arith.constant 0 : i32
    %c0_i32_0 = arith.constant 0 : i32
    return %arg0, %c0_i32 : i32, i32
  }
  func.func @transform_1(%arg0: i32) -> (i32, i32) {
    %c0_i32 = arith.constant 0 : i32
    %c0_i32_0 = arith.constant 0 : i32
    return %arg0, %c0_i32 : i32, i32
  }
  func.func @transform_2(%arg0: i32) -> (i32, i32) {
    %c0_i32 = arith.constant 0 : i32
    %c0_i32_0 = arith.constant 0 : i32
    return %arg0, %c0_i32 : i32, i32
  }
  func.func @transform_3(%arg0: i32) -> (i32, i32) {
    %c0_i32 = arith.constant 0 : i32
    %c0_i32_0 = arith.constant 0 : i32
    return %arg0, %c0_i32 : i32, i32
  }
  func.func @transform_4(%arg0: i32) -> (i32, i32) {
    %c0_i32 = arith.constant 0 : i32
    %c0_i32_0 = arith.constant 0 : i32
    %c0_i32_1 = arith.constant 0 : i32
    return %c0_i32, %c0_i32_0 : i32, i32
  }
  func.func @transform_5(%arg0: i32) -> (i32, i32) {
    %c0_i32 = arith.constant 0 : i32
    %c0_i32_0 = arith.constant 0 : i32
    %c0_i32_1 = arith.constant 0 : i32
    return %c0_i32, %c0_i32_0 : i32, i32
  }
  func.func @transform_6(%arg0: i32) -> (i32, i32) {
    %c0_i32 = arith.constant 0 : i32
    %c0_i32_0 = arith.constant 0 : i32
    return %arg0, %c0_i32 : i32, i32
  }
  func.func @transform_7(%arg0: i32) -> (i32, i32) {
    %c0_i32 = arith.constant 0 : i32
    %c0_i32_0 = arith.constant 0 : i32
    %c0_i32_1 = arith.constant 0 : i32
    return %c0_i32, %c0_i32_0 : i32, i32
  }
  func.func @transform_8(%arg0: i32) -> (i32, i32) {
    %c0_i32 = arith.constant 0 : i32
    %c0_i32_0 = arith.constant 0 : i32
    %c0_i32_1 = arith.constant 0 : i32
    return %c0_i32, %c0_i32_0 : i32, i32
  }
}

module attributes {stable_mosaic.version = 14 : i64} {
  func.func @_head_body(%arg0: i32, %arg1: memref<2000x128xf32, #tpu.memory_space<vmem>>, %arg2: memref<1x128xf32, #tpu.memory_space<vmem>>, %arg3: memref<1x128xf32, #tpu.memory_space<vmem>>, %arg4: memref<1x128xf32, #tpu.memory_space<vmem>>, %arg5: memref<1x128xf32, #tpu.memory_space<vmem>>, %arg6: memref<2000x128xf32, #tpu.memory_space<vmem>>, %arg7: memref<128x128xf32, #tpu.memory_space<vmem>>, %arg8: memref<1x128xf32, #tpu.memory_space<vmem>>, %arg9: memref<128x16xf32, #tpu.memory_space<vmem>>, %arg10: memref<1x16xf32, #tpu.memory_space<vmem>>, %arg11: memref<16x1xf32, #tpu.memory_space<vmem>>, %arg12: memref<1x1xf32, #tpu.memory_space<vmem>>, %arg13: memref<2000x1xf32, #tpu.memory_space<vmem>>) attributes {dimension_semantics = [#tpu.dimension_semantics<arbitrary>], iteration_bounds = array<i64: 5>, scalar_prefetch = 0 : i64, scratch_operands = 0 : i64, tpu.core_type = #tpu.core_type<tc>, window_params = [{transform_indices = @transform_0, window_bounds = array<i64: 2000, 128>}, {pipeline_mode = #tpu.pipeline_mode<synchronous>, transform_indices = @transform_1, window_bounds = array<i64: 1, 128>}, {pipeline_mode = #tpu.pipeline_mode<synchronous>, transform_indices = @transform_2, window_bounds = array<i64: 1, 128>}, {pipeline_mode = #tpu.pipeline_mode<synchronous>, transform_indices = @transform_3, window_bounds = array<i64: 1, 128>}, {pipeline_mode = #tpu.pipeline_mode<synchronous>, transform_indices = @transform_4, window_bounds = array<i64: 1, 128>}, {transform_indices = @transform_5, window_bounds = array<i64: 2000, 128>}, {pipeline_mode = #tpu.pipeline_mode<synchronous>, transform_indices = @transform_6, window_bounds = array<i64: 128, 128>}, {pipeline_mode = #tpu.pipeline_mode<synchronous>, transform_indices = @transform_7, window_bounds = array<i64: 1, 128>}, {pipeline_mode = #tpu.pipeline_mode<synchronous>, transform_indices = @transform_8, window_bounds = array<i64: 128, 16>}, {pipeline_mode = #tpu.pipeline_mode<synchronous>, transform_indices = @transform_9, window_bounds = array<i64: 1, 16>}, {pipeline_mode = #tpu.pipeline_mode<synchronous>, transform_indices = @transform_10, window_bounds = array<i64: 16, 1>}, {pipeline_mode = #tpu.pipeline_mode<synchronous>, transform_indices = @transform_11, window_bounds = array<i64: 1, 1>}, {transform_indices = @transform_12, window_bounds = array<i64: 2000, 1>}]} {
    %get3A = arith.constant 0 : index
    %get3A_0 = arith.constant 0 : index
    %get3A_1 = vector.load %arg2[%get3A, %get3A_0] : memref<1x128xf32, #tpu.memory_space<vmem>>, vector<1x128xf32>
    %div3A = arith.constant 1.000000e+04 : f32
    %div3A_2 = vector.broadcast %div3A : f32 to vector<1x128xf32>
    %div3A_3 = arith.divf %get3A_1, %div3A_2 : vector<1x128xf32>
    %get3A_4 = arith.constant 0 : index
    %get3A_5 = arith.constant 0 : index
    %get3A_6 = vector.load %arg3[%get3A_4, %get3A_5] : memref<1x128xf32, #tpu.memory_space<vmem>>, vector<1x128xf32>
    %div3A_7 = arith.constant 1.000000e+04 : f32
    %div3A_8 = vector.broadcast %div3A_7 : f32 to vector<1x128xf32>
    %div3A_9 = arith.divf %get3A_6, %div3A_8 : vector<1x128xf32>
    %mul3A = arith.mulf %div3A_3, %div3A_3 : vector<1x128xf32>
    %sub3A = arith.subf %div3A_9, %mul3A : vector<1x128xf32>
    %get3A_10 = arith.constant 0 : index
    %get3A_11 = arith.constant 0 : index
    %get3A_12 = vector.load %arg1[%get3A_10, %get3A_11] : memref<2000x128xf32, #tpu.memory_space<vmem>>, vector<2000x128xf32>
    %sub3A_13 = vector.broadcast %div3A_3 : vector<1x128xf32> to vector<2000x128xf32>
    %sub3A_14 = arith.subf %get3A_12, %sub3A_13 : vector<2000x128xf32>
    %add3A = arith.constant 9.99999974E-6 : f32
    %add3A_15 = vector.broadcast %add3A : f32 to vector<1x128xf32>
    %add3A_16 = arith.addf %sub3A, %add3A_15 : vector<1x128xf32>
    %rsqrt3A = math.rsqrt %add3A_16 : vector<1x128xf32>
    %mul3A_17 = vector.broadcast %rsqrt3A : vector<1x128xf32> to vector<2000x128xf32>
    %mul3A_18 = arith.mulf %sub3A_14, %mul3A_17 : vector<2000x128xf32>
    %get3A_19 = arith.constant 0 : index
    %get3A_20 = arith.constant 0 : index
    %get3A_21 = vector.load %arg4[%get3A_19, %get3A_20] : memref<1x128xf32, #tpu.memory_space<vmem>>, vector<1x128xf32>
    %mul3A_22 = vector.broadcast %get3A_21 : vector<1x128xf32> to vector<2000x128xf32>
    %mul3A_23 = arith.mulf %mul3A_18, %mul3A_22 : vector<2000x128xf32>
    %get3A_24 = arith.constant 0 : index
    %get3A_25 = arith.constant 0 : index
    %get3A_26 = vector.load %arg5[%get3A_24, %get3A_25] : memref<1x128xf32, #tpu.memory_space<vmem>>, vector<1x128xf32>
    %add3A_27 = vector.broadcast %get3A_26 : vector<1x128xf32> to vector<2000x128xf32>
    %add3A_28 = arith.addf %mul3A_23, %add3A_27 : vector<2000x128xf32>
    %get3A_29 = arith.constant 0 : index
    %get3A_30 = arith.constant 0 : index
    %get3A_31 = vector.load %arg6[%get3A_29, %get3A_30] : memref<2000x128xf32, #tpu.memory_space<vmem>>, vector<2000x128xf32>
    %get3A_32 = arith.constant 0 : index
    %get3A_33 = arith.constant 0 : index
    %get3A_34 = vector.load %arg7[%get3A_32, %get3A_33] : memref<128x128xf32, #tpu.memory_space<vmem>>, vector<128x128xf32>
    %dot_general3A = arith.constant dense<0.000000e+00> : vector<2000x128xf32>
    %dot_general3A_35 = tpu.matmul %get3A_31, %get3A_34, %dot_general3A {dimension_numbers = #tpu.dot_dimension_numbers<[1], [0], [0], [1], [0, 0, 1, 1], [], []>, transpose_lhs_hint = false} : vector<2000x128xf32>, vector<128x128xf32>, vector<2000x128xf32> -> vector<2000x128xf32>
    %add3A_36 = arith.addf %add3A_28, %dot_general3A_35 : vector<2000x128xf32>
    %get3A_37 = arith.constant 0 : index
    %get3A_38 = arith.constant 0 : index
    %get3A_39 = vector.load %arg8[%get3A_37, %get3A_38] : memref<1x128xf32, #tpu.memory_space<vmem>>, vector<1x128xf32>
    %add3A_40 = vector.broadcast %get3A_39 : vector<1x128xf32> to vector<2000x128xf32>
    %add3A_41 = arith.addf %add3A_36, %add3A_40 : vector<2000x128xf32>
    %get3A_42 = arith.constant 0 : index
    %get3A_43 = arith.constant 0 : index
    %get3A_44 = vector.load %arg9[%get3A_42, %get3A_43] : memref<128x16xf32, #tpu.memory_space<vmem>>, vector<128x16xf32>
    %dot_general3A_45 = arith.constant dense<0.000000e+00> : vector<2000x16xf32>
    %dot_general3A_46 = tpu.matmul %add3A_41, %get3A_44, %dot_general3A_45 {dimension_numbers = #tpu.dot_dimension_numbers<[1], [0], [0], [1], [0, 0, 1, 1], [], []>, transpose_lhs_hint = false} : vector<2000x128xf32>, vector<128x16xf32>, vector<2000x16xf32> -> vector<2000x16xf32>
    %get3A_47 = arith.constant 0 : index
    %get3A_48 = arith.constant 0 : index
    %get3A_49 = vector.load %arg10[%get3A_47, %get3A_48] : memref<1x16xf32, #tpu.memory_space<vmem>>, vector<1x16xf32>
    %add3A_50 = vector.broadcast %get3A_49 : vector<1x16xf32> to vector<2000x16xf32>
    %add3A_51 = arith.addf %dot_general3A_46, %add3A_50 : vector<2000x16xf32>
    %max3A = arith.constant 0.000000e+00 : f32
    %max3A_52 = vector.broadcast %max3A : f32 to vector<2000x16xf32>
    %max3A_53 = arith.maximumf %add3A_51, %max3A_52 : vector<2000x16xf32>
    %get3A_54 = arith.constant 0 : index
    %get3A_55 = arith.constant 0 : index
    %get3A_56 = vector.load %arg11[%get3A_54, %get3A_55] : memref<16x1xf32, #tpu.memory_space<vmem>>, vector<16x1xf32>
    %dot_general3A_57 = arith.constant dense<0.000000e+00> : vector<2000x1xf32>
    %dot_general3A_58 = tpu.matmul %max3A_53, %get3A_56, %dot_general3A_57 {dimension_numbers = #tpu.dot_dimension_numbers<[1], [0], [0], [1], [0, 0, 1, 1], [], []>, transpose_lhs_hint = false} : vector<2000x16xf32>, vector<16x1xf32>, vector<2000x1xf32> -> vector<2000x1xf32>
    %get3A_59 = arith.constant 0 : index
    %get3A_60 = arith.constant 0 : index
    %get3A_61 = vector.load %arg12[%get3A_59, %get3A_60] : memref<1x1xf32, #tpu.memory_space<vmem>>, vector<1x1xf32>
    %add3A_62 = vector.broadcast %get3A_61 : vector<1x1xf32> to vector<2000x1xf32>
    %add3A_63 = arith.addf %dot_general3A_58, %add3A_62 : vector<2000x1xf32>
    %swap3A = arith.constant 0 : index
    %swap3A_64 = arith.constant 0 : index
    %swap3A_65 = vector.load %arg13[%swap3A, %swap3A_64] : memref<2000x1xf32, #tpu.memory_space<vmem>>, vector<2000x1xf32>
    tpu.vector_store %arg13[%swap3A, %swap3A_64], %add3A_63 {strides = array<i32>} : memref<2000x1xf32, #tpu.memory_space<vmem>>, vector<2000x1xf32>,
    return
  }
  func.func @transform_0(%arg0: i32) -> (i32, i32) {
    %c0_i32 = arith.constant 0 : i32
    %c0_i32_0 = arith.constant 0 : i32
    return %arg0, %c0_i32 : i32, i32
  }
  func.func @transform_1(%arg0: i32) -> (i32, i32) {
    %c0_i32 = arith.constant 0 : i32
    %c0_i32_0 = arith.constant 0 : i32
    %c0_i32_1 = arith.constant 0 : i32
    return %c0_i32, %c0_i32_0 : i32, i32
  }
  func.func @transform_2(%arg0: i32) -> (i32, i32) {
    %c0_i32 = arith.constant 0 : i32
    %c0_i32_0 = arith.constant 0 : i32
    %c0_i32_1 = arith.constant 0 : i32
    return %c0_i32, %c0_i32_0 : i32, i32
  }
  func.func @transform_3(%arg0: i32) -> (i32, i32) {
    %c0_i32 = arith.constant 0 : i32
    %c0_i32_0 = arith.constant 0 : i32
    %c0_i32_1 = arith.constant 0 : i32
    return %c0_i32, %c0_i32_0 : i32, i32
  }
  func.func @transform_4(%arg0: i32) -> (i32, i32) {
    %c0_i32 = arith.constant 0 : i32
    %c0_i32_0 = arith.constant 0 : i32
    %c0_i32_1 = arith.constant 0 : i32
    return %c0_i32, %c0_i32_0 : i32, i32
  }
  func.func @transform_5(%arg0: i32) -> (i32, i32) {
    %c0_i32 = arith.constant 0 : i32
    %c0_i32_0 = arith.constant 0 : i32
    return %arg0, %c0_i32 : i32, i32
  }
  func.func @transform_6(%arg0: i32) -> (i32, i32) {
    %c0_i32 = arith.constant 0 : i32
    %c0_i32_0 = arith.constant 0 : i32
    %c0_i32_1 = arith.constant 0 : i32
    return %c0_i32, %c0_i32_0 : i32, i32
  }
  func.func @transform_7(%arg0: i32) -> (i32, i32) {
    %c0_i32 = arith.constant 0 : i32
    %c0_i32_0 = arith.constant 0 : i32
    %c0_i32_1 = arith.constant 0 : i32
    return %c0_i32, %c0_i32_0 : i32, i32
  }
  func.func @transform_8(%arg0: i32) -> (i32, i32) {
    %c0_i32 = arith.constant 0 : i32
    %c0_i32_0 = arith.constant 0 : i32
    %c0_i32_1 = arith.constant 0 : i32
    return %c0_i32, %c0_i32_0 : i32, i32
  }
  func.func @transform_9(%arg0: i32) -> (i32, i32) {
    %c0_i32 = arith.constant 0 : i32
    %c0_i32_0 = arith.constant 0 : i32
    %c0_i32_1 = arith.constant 0 : i32
    return %c0_i32, %c0_i32_0 : i32, i32
  }
  func.func @transform_10(%arg0: i32) -> (i32, i32) {
    %c0_i32 = arith.constant 0 : i32
    %c0_i32_0 = arith.constant 0 : i32
    %c0_i32_1 = arith.constant 0 : i32
    return %c0_i32, %c0_i32_0 : i32, i32
  }
  func.func @transform_11(%arg0: i32) -> (i32, i32) {
    %c0_i32 = arith.constant 0 : i32
    %c0_i32_0 = arith.constant 0 : i32
    %c0_i32_1 = arith.constant 0 : i32
    return %c0_i32, %c0_i32_0 : i32, i32
  }
  func.func @transform_12(%arg0: i32) -> (i32, i32) {
    %c0_i32 = arith.constant 0 : i32
    %c0_i32_0 = arith.constant 0 : i32
    return %arg0, %c0_i32 : i32, i32
  }
}

</mosaic_0001>

<sc_bundles>
// kernel: kernel.10.cloned.1.call-start
scs
__scs_entry_jumppad:
0x0: {  	(pc) =	sbr.rel $0x88, $3  }
0x1: {  	(tag) =	ssettag $0x0;
	lr =	simm.s32 $0x1  }
0x2: {  	[smem:$0x3F8B] =	sst lr;
	_ =	strace $0xD0000000  }
0x3: {  	_ = 	snop  }
0x4: {  	_ = 	snop  }
0x5: {  	_ = 	snop  }
0x6: {  	_ = 	snop  }
0x7: {  	_ = 	snop  }
__scs_overlays_trampoline_lowered:
0x8: {  	[smem:$0x3F9A] =	sst s0  }
0x9: {  	[smem:$0x3F9B] =	sst s1  }
0xa: {  	[smem:$0x3F9C] =	sst s2  }
0xb: {  	[smem:$0x3F9D] =	sst s3  }
0xc: {  	[smem:$0x3F9E] =	sst s4  }
0xd: {  	[smem:$0x3F9F] =	sst s5  }
0xe: {  	[smem:$0x3FA0] =	sst s6  }
0xf: {  	[smem:$0x3FA1] =	sst s7  }
0x10: {  	[smem:$0x3FA2] =	sst s8  }
0x11: {  	[smem:$0x3FA3] =	sst s9;
	s0 =	simm.s32 @!p0 $0x0  }
0x12: {  	s1 =	sld [smem:$0x3F89];
	s0 =	simm.s32 @p0 $0x1  }
0x13: {  	[smem:$0x3FA4] =	sst s0;
	s0 =	simm.s32 @!p1 $0x0  }
0x14: {  	s2 =	sld [smem:$0x3F88];
	s0 =	simm.s32 @p1 $0x1  }
0x15: {  	[smem:$0x3FA5] =	sst s0;
	s0 =	simm.s32 @!p2 $0x0  }
0x16: {  	s3 =	sld [smem:$0x3FDB];
	s0 =	simm.s32 @p2 $0x1  }
0x17: {  	s4 =	simm.s32 $0x1BF5;
	[smem:$0x3FA7] =	sst s0  }
0x18: {  	s0 =	sld [smem:$0x3F8A];
	_ =	swait.ge [sflag:s4], $0x0  }
0x19: {  	s7 =	sld [smem:$0x3F8B]  }
0x1a: {  	s8 =	sadd.s32 $0xFFFFE003, lr  }
0x1b: {  	s9 =	sadd.s32 $0xFFFFFEF7, lr;
	s5 =	simm.s32 $0xFFFFFFFF;
	p2 =	slt.u32 s8, $0xFFFFF086  }
0x1c: {  	p1 =	slt.u32 s9, $0xF7A;
	s5 =	simm.s32 @!p2 $0x0  }
0x1d: {  	s5 =	simm.s32 @p1 $0x1;
	p0 =	seq.s32 s7, s2  }
0x1e: {  	s7 =	smul.u32 @!p0 $0xF7A, s2;
	p2 =	seq.s32 @!p0 s5, $0x0  }
0x1f: {  	s9 =	smul.u32 $0xF7A, s1;
	s8 =	simm.s32 @!p0 $0x1BF5;
	p2 =	por !p2, p0  }
0x20: {  	[sflag:s8] =	ssyncset.s32 @!p0 $0xFFFFF086;
	s6 =	sadd.s32 @!p0 s3, s7;
	s7 =	simm.s32 @!p0 $0x108  }
0x21: {  	s3 =	sadd.s32 s3, s9;
	s6 =	sadd.s32 @!p0 $0x88, s6;
	s7 =	simm.s32 @p2 $0x1082  }
0x22: {  	[simem:s7], [sflag:s8] =	dma.local @!p0 [hbm:s6], $0xF7A  }
0x23: {  	s9 =	sor.u32 $0xD0000000, s2;
	s6 =	simm.s32 $0x108;
	_ =	swait.ge @!p0 [sflag:s8], $0x0  }
0x24: {  	s3 =	sadd.s32 $0x88, s3;
	s6 =	simm.s32 @!p1 $0x1082;
	[sflag:s4] =	ssyncset.s32 $0xFFFFF086  }
0x25: {  	[simem:s6], [sflag:s4] =	dma.local [hbm:s3], $0xF7A  }
0x26: {  	[smem:$0x3F8B] =	sst s1;
	(tag) =	ssettag s2;
	_ =	strace s9  }
0x27: {  	s1 =	sld [smem:$0x3F9B]  }
0x28: {  	s2 =	sld [smem:$0x3F9C]  }
0x29: {  	s4 =	sld [smem:$0x3F9E]  }
0x2a: {  	p0 =	seq.s32 s5, $0x0;
	s5 =	sld [smem:$0x3F9F]  }
0x2b: {  	s6 =	sld [smem:$0x3FA0]  }
0x2c: {  	s7 =	sld [smem:$0x3FA1]  }
0x2d: {  	s3 =	simm.s32 $0x108;
	s8 =	sld [smem:$0x3FA2]  }
0x2e: {  	s3 =	simm.s32 @!p0 $0x1082;
	s9 =	sld [smem:$0x3FA3]  }
0x2f: {  	lr =	sadd.s32 s0, s3;
	s0 =	sld [smem:$0x3F9A]  }
0x30: {  	s3 =	sld [smem:$0x3F9D]  }
0x31: {  	[smem:$0x3FA6] =	sst s10  }
0x32: {  	s10 =	sld [smem:$0x3FA4];
	_ =	sdelay $0x3  }
0x33: {  	p0 =	seq.s32 s10, $0x1;
	s10 =	sld [smem:$0x3FA6];
	_ =	sdelay $0x3  }
0x34: {  	[smem:$0x3FA6] =	sst s10  }
0x35: {  	s10 =	sld [smem:$0x3FA5];
	_ =	sdelay $0x3  }
0x36: {  	p1 =	seq.s32 s10, $0x1;
	s10 =	sld [smem:$0x3FA6];
	_ =	sdelay $0x3  }
0x37: {  	[smem:$0x3FA6] =	sst s10  }
0x38: {  	s10 =	sld [smem:$0x3FA7]  }
0x39: {  	_ = 	snop;
	(pc) =	sbr.ind lr, $3  }
0x3a: {  	_ = 	snop  }
0x3b: {  	_ = 	snop  }
0x3c: {  	p2 =	seq.s32 s10, $0x1;
	s10 =	sld [smem:$0x3FA6]  }
0x3d: {  	_ =	shalt  }
0x3e: {  	_ =	shalt  }
0x3f: {  	_ =	shalt  }
0x40: {  	_ =	shalt  }
0x41: {  	_ =	shalt  }
0x42: {  	_ =	shalt  }
0x43: {  	_ =	shalt  }
0x44: {  	_ =	shalt  }
0x45: {  	_ =	shalt  }
0x46: {  	_ =	shalt  }
0x47: {  	_ =	shalt  }
0x48: {  	_ =	shalt  }
0x49: {  	_ =	shalt  }
0x4a: {  	_ =	shalt  }
0x4b: {  	_ =	shalt  }
0x4c: {  	_ =	shalt  }
0x4d: {  	_ =	shalt  }
0x4e: {  	_ =	shalt  }
0x4f: {  	_ =	shalt  }
0x50: {  	_ =	shalt  }
0x51: {  	_ =	shalt  }
0x52: {  	_ =	shalt  }
0x53: {  	_ =	shalt  }
0x54: {  	_ =	shalt  }
0x55: {  	_ =	shalt  }
0x56: {  	_ =	shalt  }
0x57: {  	_ =	shalt  }
0x58: {  	_ =	shalt  }
0x59: {  	_ =	shalt  }
0x5a: {  	_ =	shalt  }
0x5b: {  	_ =	shalt  }
0x5c: {  	_ =	shalt  }
0x5d: {  	_ =	shalt  }
0x5e: {  	_ =	shalt  }
0x5f: {  	_ =	shalt  }
0x60: {  	_ =	shalt  }
0x61: {  	_ =	shalt  }
0x62: {  	_ =	shalt  }
0x63: {  	_ =	shalt  }
0x64: {  	_ =	shalt  }
0x65: {  	_ =	shalt  }
0x66: {  	_ =	shalt  }
0x67: {  	_ =	shalt  }
0x68: {  	_ =	shalt  }
0x69: {  	_ =	shalt  }
0x6a: {  	_ =	shalt  }
0x6b: {  	_ =	shalt  }
0x6c: {  	_ =	shalt  }
0x6d: {  	_ =	shalt  }
0x6e: {  	_ =	shalt  }
0x6f: {  	_ =	shalt  }
0x70: {  	_ =	shalt  }
0x71: {  	_ =	shalt  }
0x72: {  	_ =	shalt  }
0x73: {  	_ =	shalt  }
0x74: {  	_ =	shalt  }
0x75: {  	_ =	shalt  }
0x76: {  	_ =	shalt  }
0x77: {  	_ =	shalt  }
0x78: {  	_ =	shalt  }
0x79: {  	_ =	shalt  }
0x7a: {  	_ =	shalt  }
0x7b: {  	_ =	shalt  }
0x7c: {  	_ =	shalt  }
0x7d: {  	_ =	shalt  }
0x7e: {  	_ =	shalt  }
0x7f: {  	_ =	shalt  }
0x80: {  	_ =	shalt  }
0x81: {  	_ =	shalt  }
0x82: {  	_ =	shalt  }
0x83: {  	_ =	shalt  }
0x84: {  	_ =	shalt  }
0x85: {  	_ =	shalt  }
0x86: {  	_ =	shalt  }
0x87: {  	_ =	shalt  }
.Lfunc_end0:
.L_simem_size_0:
called_computation_lowered:
.L_overlay_start_0:
0x88: {  	s2 =	sld [smem:$0x3FD9]  }
0x89: {  	s3 =	sld [smem:$0x3FFE];
	_ =	sdelay $0x1  }
0x8a: {  	s1 =	srdreg.scid  }
0x8b: {  	s0 =	sand.u32 $0x1, s1  }
0x8c: {  	s16 =	sshll.u32 s0, $0xA;
	s2 =	sadd.s32 s3, s2  }
0x8d: {  	s2 =	sadd.s32 s2, s16  }
0x8e: {  	[smem:$0x3FB2] =	sst s2  }
0x8f: {  	_ = 	snop  }
0x90: {  	(tm) =	ssettm $0x1  }
0x91: {  	s17 =	sld [smem:$0x3FFB];
	_ =	sdelay $0x3  }
0x92: {  	_ =	strace s17  }
0x93: {  	s2 =	sld [smem:$0x3FFC];
	_ =	sdelay $0x3  }
0x94: {  	_ =	strace s2  }
0x95: {  	s2 =	sld [smem:$0x3FFD];
	_ =	sdelay $0x3  }
0x96: {  	_ =	strace s2  }
0x97: {  	_ =	strace $0x8FFFFFFF  }
0x98: {  	s18 =	sld [smem:$0x3FDB];
	_ =	sdelay $0x1  }
0x99: {  	s19 =	simm.s32 $_scs_section_size  }
0x9a: {  	s4 =	simm.s32 $_size__tile_overlayer_lowered;
	s5 =	simm.s32 $_tile_overlayer_lowered  }
0x9b: {  	s22 =	simm.s32 $0x1BFF;
	s21 =	sshll.u32 s5, $0x1;
	s2 =	sadd.s32 s19, s18  }
0x9c: {  	s6 =	simm.s32 $0x0;
	s20 =	sshll.u32 s4, $0x1;
	s4 =	sadd.s32 s21, s2  }
0x9d: {  	[timem:s6], [sflag:s22] =	dma.local [hbm:s4], s20  }
0x9e: {  	_ =	swait.ge [sflag:s22], s20  }
0x9f: {  	s3 =	ssub.s32 $0x0, s20;
	[sflag:s22] =	ssyncset.done $0x0  }
0xa0: {  	[sflag:s22] =	ssyncadd.s32 s3;
	_ =	sdelay $0x1  }
0xa1: {  	s23 =	simm.s32 $0x1B8B  }
0xa2: {  	_ =	swait.ge [sflag:s23], $0x1  }
0xa3: {  	[sflag:s23] =	ssyncset.done $0x0  }
0xa4: {  	s25 =	simm.s32 $0x1B8E;
	s24 =	sld [smem:$0x3FFE];
	[sflag:s23] =	ssyncadd.s32 $0xFFFFFFFF  }
0xa5: {  	s26 =	simm.s32 $execute0_lowered;
	[smem:$0x3FD2] =	sst s25  }
0xa6: {  	s4 =	sshll.u32 s26, $0x1;
	_ =	strace $0x80000046;
	[dreg:$0x1] =	wrdreg $0xFFFFFFFF  }
0xa7: {  	s28 =	simm.s32 $_size_execute0_lowered;
	s2 =	sadd.s32 s2, s4;
	[dreg:$0x0] =	wrdreg $0x0  }
0xa8: {  	s4 =	sshll.u32 s28, $0x1;
	[dreg:$0x2] =	wrdreg s2  }
0xa9: {  	[dreg:$0x3] =	wrdreg s4  }
0xaa: {  	[dreg:$0x4] =	wrdreg $0xC0  }
0xab: {  	_ =	task [dreg:s6], $0x5FFFF  }
0xac: {  	[dreg:$0x1] =	wrdreg $0xFFFFFFFF  }
0xad: {  	[dreg:$0x0] =	wrdreg $0x60  }
0xae: {  	[dreg:$0x2] =	wrdreg s24  }
0xaf: {  	[dreg:$0x3] =	wrdreg $0x0  }
0xb0: {  	[dreg:$0x4] =	wrdreg $0x13C000  }
0xb1: {  	[dreg:$0x5] =	wrdreg $0x9  }
0xb2: {  	_ =	task.clear_ibuf [dreg:s6], $0x6FFFF;
	_ =	strace $0x90000046  }
0xb3: {  	s29 =	simm.s32 $0x9;
	_ =	strace $0x80000048  }
0xb4: {  	_ =	swait.ge [sflag:s29], $0x1  }
0xb5: {  	[sflag:s29] =	ssyncadd.s32 $0xFFFFFFFF  }
0xb6: {  	_ =	strace $0x90000048  }
0xb7: {  	_ =	sfence  }
0xb8: {  	s30 =	sld [smem:$0x0];
	_ =	sdelay $0x2  }
0xb9: {  	s31 =	sshll.u32 s1, $0xD;
	s1 =	sshrl.u32 s1, $0x2  }
0xba: {  	s3 =	sand.u32 $0x4000, s31;
	s1 =	sadd.s32 s1, s30  }
0xbb: {  	s0 =	sor.u32 s3, s0;
	s1 =	sshll.u32 s1, $0x11  }
0xbc: {  	s0 =	sor.u32 s1, s0  }
0xbd: {  	s0 =	sadd.s32 $0x8F2B, s0  }
0xbe: {  	[sflag:s0] =	ssyncadd.remote.s32 $0x1  }
0xbf: {  	_ =	sfence.sel $0xFFFF  }
0xc0: {  	[dreg:$0x0] =	wrdreg $0xFFFFFFFF;
	(pc) =	sbr.abs _section_cstart, $3  }
0xc1: {  	[dreg:$0x1] =	wrdreg $0xFFFFFFFF  }
0xc2: {  	_ =	task.clear_ibuf [dreg:s6], $0x2FFFF;
	_ =	strace $0x9FFFFFFF  }
0xc3: {  	(tm) =	ssettm $0x7FFFFFFF  }
tec
execute0_lowered:
.L_overlay_start_1:
0x0: {  	(tag) =	ssettag $0x1  }
0x1: {  	s10 =	rddreg [dreg:$0x0]  }
0x2: {  	s1 =	rddreg [dreg:$0x1]  }
0x3: {  	s2 =	rddreg [dreg:$0x2]  }
0x4: {  	s0 =	rddreg [dreg:$0x3];
	s4 =	simm.s32 $0x0;
	s3 =	stileid.u32  }
0x5: {  	s8 =	srdreg.scid;
	s21 =	simm.s32 $0x16400;
	s22 =	simm.s32 $0x80  }
0x6: {  	s23 =	simm.s32 $0x16480;
	s24 =	simm.s32 $0x1A480;
	s25 =	simm.s32 $0x1AC80  }
0x7: {  	s26 =	simm.s32 $0x1B480;
	[smem:$0x7FF] =	sst s4;
	s5 =	sadd.s32 $0x5200, s10  }
0x8: {  	s6 =	sadd.s32 $0x2C400, s10;
	s11 =	smul.u32 $0x13C00, s3;
	s7 =	sadd.s32 $0x31400, s10  }
0x9: {  	s12 =	smul.u32 $0x2780, s3;
	s13 =	sand.u32 $0x1, s8;
	s8 =	sadd.s32 $0x36400, s10  }
0xa: {  	s9 =	sadd.s32 $0x40600, s10;
	s31 =	sshll.u32 s3, $0x6;
	s14 =	smul.u32 $0x13C000, s13  }
0xb: {  	_ =	strace $0x80000047;
	s17 =	smul.u32 $0x27800, s13;
	s18 =	ssub.s32 $0x2, s13  }
0xc: {  	s29 =	sshll.u32 s13, $0x4;
	s15 =	sshrl.u32 s11, $0x3;
	s16 =	sshrl.u32 s12, $0x3  }
0xd: {  	s19 =	sshrl.u32 s18, $0x1;
	s13 =	sor.u32 s3, s29;
	s30 =	sadd.s32 s11, s1  }
0xe: {  	s20 =	sadd.s32 s12, s2;
	s15 =	sadd.s32 s15, s10;
	s16 =	sadd.s32 s16, s10  }
0xf: {  	s14 =	sadd.s32 s11, s14;
	s17 =	sadd.s32 s12, s17;
	s18 =	ssub.s32 s18, s19  }
0x10: {  	s11 =	sor.u32 $0x1C01, s31;
	s13 =	smul.u32 $0x2880, s13;
	s19 =	sshrl.u32 s20, $0x3  }
0x11: {  	s20 =	simm.s32 $0x16380;
	s14 =	sshrl.u32 s14, $0x3;
	s17 =	sshrl.u32 s17, $0x3  }
0x12: {  	s12 =	sadd.s32 $0x72000, s16;
	s16 =	smax.u32 s18, $0x1;
	s18 =	simm.s32 $0x1  }
0x13: {  	s14 =	sadd.s32 s14, s10;
	s17 =	sadd.s32 s17, s10;
	s10 =	sadd.s32 $0x4A800, s15  }
0x14: {  	vm0 =	vmmov $0xff;
	s14 =	sadd.s32 $0x77000, s14;
	s15 =	sadd.s32 $0xC6000, s17;
	s17 =	sshrl.u32 s30, $0x3  }
.LBB2_1:
0x15: {  	[spmem:s17], [sflag:s11] =	dma.local [hbm:s10], $0x2780  }
0x16: {  	_ =	swait.ge [sflag:s18], $0x2780  }
0x17: {  	[sflag:s18] =	ssyncset.done $0x0  }
0x18: {  	[sflag:s18] =	ssyncadd.s32 $0xFFFFD880  }
0x19: {  	[spmem:s19], [sflag:s11] =	dma.local [hbm:s12], $0x4F0  }
0x1a: {  	_ =	swait.ge [sflag:s18], $0x4F0  }
0x1b: {  	[sflag:s18] =	ssyncset.done $0x0  }
0x1c: {  	[sflag:s18] =	ssyncadd.s32 $0xFFFFFB10  }
0x1d: {  	s28 =	simm.s32 $0x0;
	[bflag:$0x0] =	sbarrier.arrive $0xFFFF  }
.LBB2_2:
0x1e: {  	s29 =	sshll.u32 s28, $0x7  }
0x1f: {  	s29 =	sadd.s32 s13, s29  }
0x20: {  	s29 =	sshrl.u32 s29, $0x3  }
0x21: {  	s31 =	simm.s32 $0x0;
	s30 =	sadd.s32 s8, s29  }
0x22: {  	[tilespmem:s20], [sflag:$0x1] =	stream.linear.gather [hbm4b:s30+s31], $0x80, $0x38;
	[tilespmem:$0x1BC80] =	vst v63  }
0x23: {  	_ =	swait.ge [sflag:s18], $0x80  }
0x24: {  	[sflag:s18] =	ssyncset.done $0x0  }
0x25: {  	s29 =	sadd.s32 s9, s29;
	[sflag:s18] =	ssyncadd.s32 $0xFFFFFF80  }
0x26: {  	[tilespmem:s21], [sflag:$0x1] =	stream.linear.gather [hbm4b:s29+s31], $0x80, $0x38;
	[tilespmem:$0x1BC80] =	vst v63  }
0x27: {  	_ =	swait.ge [sflag:s18], $0x80  }
0x28: {  	[sflag:s18] =	ssyncset.done $0x0  }
0x29: {  	[sflag:s18] =	ssyncadd.s32 $0xFFFFFF80  }
0x2a: {  	[tilespmem:s23], [sflag:$0x1] =	stream.indirect.gather [hbm4b:s5+s22], $0x80, s20, s22, $0xb8;
	[tilespmem:$0x1BC80] =	vst v63  }
0x2b: {  	_ =	swait.ge [sflag:s18], $0x4000  }
0x2c: {  	[sflag:s18] =	ssyncset.done $0x0  }
0x2d: {  	[sflag:s18] =	ssyncadd.s32 $0xFFFFC000  }
0x2e: {  	[tilespmem:s24], [sflag:$0x1] =	stream.indirect.gather [hbm4b:s6+s22], $0x10, s20, s22, $0xb8;
	[tilespmem:$0x1BC80] =	vst v63  }
0x2f: {  	_ =	swait.ge [sflag:s18], $0x800  }
0x30: {  	[sflag:s18] =	ssyncset.done $0x0  }
0x31: {  	[sflag:s18] =	ssyncadd.s32 $0xFFFFF800  }
0x32: {  	[tilespmem:s25], [sflag:$0x1] =	stream.indirect.gather [hbm4b:s7+s22], $0x10, s21, s22, $0xb8;
	[tilespmem:$0x1BC80] =	vst v63  }
0x33: {  	_ =	swait.ge [sflag:s18], $0x800  }
0x34: {  	[sflag:s18] =	ssyncset.done $0x0  }
0x35: {  	s30 =	simm.s32 $0x0;
	[sflag:s18] =	ssyncadd.s32 $0xFFFFF800  }
0x36: {  	v0 =	vld [tilespmem:s30+$0x1AC80]  }
0x37: {  	v1 =	vld [tilespmem:s30+$0x1A480];
	_ =	sdelay $0x4  }
0x38: {  	v0 =	vadd.f32 v0, v1;
	_ =	sdelay $0x1  }
0x39: {  	v1 =	vmul.f32 $2.000000030e-01, v0  }
0x3a: {  	vm1 =	vge.f32 v0, $0.0e+00  }
0x3b: {  	v0 =	vsel vm1, v0, v1  }
0x3c: {  	v0 =	vmul.f32 $1.442695020e+00, v0;
	_ =	sdelay $0x1  }
0x3d: {  	(erf) = vpow2.f32 v0;
	_ =	sdelay $0x8  }
0x3e: {  	v0 =	vpop (erf)  }
0x3f: {  	v1 =	vnsel vm0, $0x0, v0  }
0x40: {  	s29 =	simm.s32 $0x164C0;
	[tilespmem:s30+$0x1B480] =	vst v1  }
0x41: {  	v1 =	vld [tilespmem:s29+$0x30]  }
0x42: {  	v2 =	vld [tilespmem:s29+$0x20]  }
0x43: {  	v3 =	vld [tilespmem:s29+$0x10]  }
0x44: {  	v4 =	vbroadcast v0, $0x7;
	v5 =	vld [tilespmem:s29+$0x0]  }
0x45: {  	v6 =	vbroadcast v0, $0x6;
	v7 =	vld [tilespmem:s29+$0xFFFFFFF0]  }
0x46: {  	v8 =	vbroadcast v0, $0x5;
	v9 =	vld [tilespmem:s29+$0xFFFFFFE0];
	v1 =	vmul.f32 v1, v4  }
0x47: {  	v61 =	vbroadcast v0, $0x4;
	v10 =	vld [tilespmem:s29+$0xFFFFFFD0];
	v2 =	vmul.f32 v2, v6  }
0x48: {  	v62 =	vbroadcast v0, $0x3;
	v11 =	vld [tilespmem:s29+$0xFFFFFFC0];
	v3 =	vmul.f32 v3, v8;
	[tilespmem:s29+$0x30] =	vst v1  }
0x49: {  	v4 =	vmul.f32 v5, v61;
	v1 =	vbroadcast v0, $0x2;
	[tilespmem:s29+$0x20] =	vst v2  }
0x4a: {  	v63 =	vmul.f32 v7, v62;
	v2 =	vbroadcast v0, $0x1;
	[tilespmem:s29+$0x10] =	vst v3  }
0x4b: {  	v0 =	vbroadcast v0, $0x0;
	[tilespmem:s29+$0x0] =	vst v4;
	v1 =	vmul.f32 v1, v9  }
0x4c: {  	[tilespmem:s29+$0xFFFFFFF0] =	vst v63;
	v2 =	vmul.f32 v2, v10  }
0x4d: {  	v0 =	vmul.f32 v0, v11;
	[tilespmem:s29+$0xFFFFFFE0] =	vst v1  }
0x4e: {  	[tilespmem:s29+$0xFFFFFFD0] =	vst v2  }
0x4f: {  	s31 =	simm.s32 $0x10;
	[tilespmem:s29+$0xFFFFFFC0] =	vst v0  }
0x50: {  	s30 =	simm.s32 $0x80;
	v0 =	vld [tilespmem:s31+$0x1AC80]  }
.LBB2_3:
0x51: {  	p0 =	sne.s32 s30, $0x1FC0;
	v1 =	vld [tilespmem:s31+$0x1A480];
	_ =	sdelay $0x4  }
0x52: {  	v0 =	vadd.f32 v0, v1;
	_ =	sdelay $0x1  }
0x53: {  	v1 =	vmul.f32 $2.000000030e-01, v0  }
0x54: {  	vm1 =	vge.f32 v0, $0.0e+00  }
0x55: {  	v0 =	vsel vm1, v0, v1  }
0x56: {  	v0 =	vmul.f32 $1.442695020e+00, v0;
	_ =	sdelay $0x1  }
0x57: {  	(erf) = vpow2.f32 v0;
	_ =	sdelay $0x8  }
0x58: {  	v0 =	vpop (erf)  }
0x59: {  	v1 =	vnsel vm0, $0x0, v0;
	v2 =	vbroadcast v0, $0x6;
	v3 =	vbroadcast v0, $0x7  }
0x5a: {  	s29 =	sadd.s32 $0x80, s29;
	v4 =	vbroadcast v0, $0x5;
	[tilespmem:s31+$0x1B480] =	vst v1;
	v1 =	vbroadcast v0, $0x4  }
0x5b: {  	v5 =	vbroadcast v0, $0x2;
	v6 =	vbroadcast v0, $0x3;
	v7 =	vld [tilespmem:s29+$0x30]  }
0x5c: {  	v8 =	vbroadcast v0, $0x0;
	v0 =	vbroadcast v0, $0x1;
	v9 =	vld [tilespmem:s29+$0x20]  }
0x5d: {  	v10 =	vld [tilespmem:s29+$0x10]  }
0x5e: {  	v11 =	vld [tilespmem:s29+$0x0]  }
0x5f: {  	v12 =	vld [tilespmem:s29+$0xFFFFFFF0]  }
0x60: {  	v13 =	vld [tilespmem:s29+$0xFFFFFFE0];
	v3 =	vmul.f32 v7, v3  }
0x61: {  	v7 =	vld [tilespmem:s29+$0xFFFFFFD0];
	v2 =	vmul.f32 v9, v2  }
0x62: {  	v9 =	vld [tilespmem:s29+$0xFFFFFFC0];
	v4 =	vmul.f32 v10, v4;
	[tilespmem:s29+$0x30] =	vst v3  }
0x63: {  	v1 =	vmul.f32 v11, v1;
	[tilespmem:s29+$0x20] =	vst v2  }
0x64: {  	v2 =	vmul.f32 v12, v6;
	[tilespmem:s29+$0x10] =	vst v4  }
0x65: {  	v3 =	vmul.f32 v5, v13;
	[tilespmem:s29+$0x0] =	vst v1  }
.Ltmp0:
0x66: {  	v0 =	vmul.f32 v0, v7;
	[tilespmem:s29+$0xFFFFFFF0] =	vst v2;
	(pc) =	sbr.rel @p0 .LBB2_3-.Ltmp0, $4  }
0x67: {  	v1 =	vmul.f32 v8, v9;
	[tilespmem:s29+$0xFFFFFFE0] =	vst v3  }
0x68: {  	[tilespmem:s29+$0xFFFFFFD0] =	vst v0  }
0x69: {  	s31 =	sshra.s32 s30, $0x2;
	[tilespmem:s29+$0xFFFFFFC0] =	vst v1  }
0x6a: {  	s30 =	sadd.s32 $0x40, s30;
	v0 =	vld [tilespmem:s31+$0x1AC80]  }
0x6b: {  	v1 =	vld [tilespmem:s31+$0x1A480];
	_ =	sdelay $0x4  }
0x6c: {  	v0 =	vadd.f32 v0, v1;
	_ =	sdelay $0x1  }
0x6d: {  	v1 =	vmul.f32 $2.000000030e-01, v0  }
0x6e: {  	vm1 =	vge.f32 v0, $0.0e+00  }
0x6f: {  	v0 =	vsel vm1, v0, v1  }
0x70: {  	v0 =	vmul.f32 $1.442695020e+00, v0;
	_ =	sdelay $0x1  }
0x71: {  	(erf) = vpow2.f32 v0;
	_ =	sdelay $0x8  }
0x72: {  	v0 =	vpop (erf)  }
0x73: {  	v58 =	vnsel vm0, $0x0, v0  }
0x74: {  	s29 =	sadd.s32 $0x80, s29;
	[tilespmem:s31+$0x1B480] =	vst v58  }
0x75: {  	v1 =	vld [tilespmem:s29+$0x30]  }
0x76: {  	v2 =	vld [tilespmem:s29+$0x20]  }
0x77: {  	v3 =	vld [tilespmem:s29+$0x10]  }
0x78: {  	v4 =	vbroadcast v0, $0x7;
	v6 =	vbroadcast v0, $0x6;
	v5 =	vld [tilespmem:s29+$0x0]  }
0x79: {  	v8 =	vbroadcast v0, $0x5;
	v59 =	vbroadcast v0, $0x4;
	v7 =	vld [tilespmem:s29+$0xFFFFFFF0]  }
0x7a: {  	v60 =	vbroadcast v0, $0x3;
	v11 =	vld [tilespmem:s29+$0xFFFFFFC0];
	v1 =	vmul.f32 v1, v4  }
0x7b: {  	v61 =	vbroadcast v0, $0x2;
	v9 =	vld [tilespmem:s29+$0xFFFFFFE0];
	v2 =	vmul.f32 v2, v6  }
0x7c: {  	v62 =	vbroadcast v0, $0x1;
	v10 =	vld [tilespmem:s29+$0xFFFFFFD0];
	v3 =	vmul.f32 v3, v8;
	[tilespmem:s29+$0x30] =	vst v1  }
0x7d: {  	v0 =	vbroadcast v0, $0x0;
	v4 =	vmul.f32 v5, v59;
	[tilespmem:s29+$0x20] =	vst v2  }
0x7e: {  	v63 =	vmul.f32 v7, v60;
	[tilespmem:s29+$0x10] =	vst v3  }
0x7f: {  	v0 =	vmul.f32 v0, v11;
	[tilespmem:s29+$0x0] =	vst v4  }
0x80: {  	v1 =	vmul.f32 v61, v9;
	[tilespmem:s29+$0xFFFFFFF0] =	vst v63  }
0x81: {  	v2 =	vmul.f32 v62, v10;
	[tilespmem:s29+$0xFFFFFFC0] =	vst v0  }
0x82: {  	[tilespmem:s29+$0xFFFFFFE0] =	vst v1  }
0x83: {  	[tilespmem:s29+$0xFFFFFFD0] =	vst v2  }
0x84: {  	[spmem:s1] =	stream.indirect.scatter.add.f32 [tilespmem:s23], [sflag:$0x1], $0x80, s21, s22, $0xb8;
	[tilespmem:$0x1BC80] =	vst v63  }
0x85: {  	s28 =	sadd.s32 $0x1, s28;
	_ =	swait.ge [sflag:s18], $0x4000  }
0x86: {  	p0 =	sne.s32 s28, $0x51;
	[sflag:s18] =	ssyncset.done $0x0  }
.Ltmp1:
0x87: {  	[sflag:s18] =	ssyncadd.s32 $0xFFFFC000;
	(pc) =	sbr.rel @p0 .LBB2_2-.Ltmp1, $4  }
0x88: {  	[spmem:s2] =	stream.indirect.scatter.add.f32 [tilespmem:s26], [sflag:$0x1], $0x10, s21, s22, $0xb8;
	[tilespmem:$0x1BC80] =	vst v63  }
0x89: {  	_ =	swait.ge [sflag:s18], $0x800  }
0x8a: {  	[sflag:s18] =	ssyncset.done $0x0  }
0x8b: {  	[sflag:s18] =	ssyncadd.s32 $0xFFFFF800  }
0x8c: {  	[bflag:$0x0] =	sbarrier.arrive $0xFFFF  }
0x8d: {  	[hbm:s14], [sflag:s11] =	dma.local [spmem:s17], $0x2780  }
0x8e: {  	s4 =	sadd.s32 $0x1, s4;
	_ =	swait.ge [sflag:s18], $0x2780  }
0x8f: {  	p0 =	sne.s32 s4, s16;
	[sflag:s18] =	ssyncset.done $0x0  }
.Ltmp2:
0x90: {  	[sflag:s18] =	ssyncadd.s32 $0xFFFFD880;
	(pc) =	sbr.rel @p0 .LBB2_1-.Ltmp2, $4  }
0x91: {  	[hbm:s15], [sflag:s11] =	dma.local [spmem:s19], $0x4F0  }
0x92: {  	_ =	swait.ge [sflag:s18], $0x4F0  }
0x93: {  	[sflag:s18] =	ssyncset.done $0x0  }
0x94: {  	[sflag:s18] =	ssyncadd.s32 $0xFFFFFB10  }
0x95: {  	_ =	sfence.sel $0x180000  }
0x96: {  	[bflag:$0x0] =	sbarrier.arrive $0xFFFF  }
0x97: {  	p0 =	sne.s32 s3, $0x0;
	_ =	strace $0x90000047  }
0x98: {  	s0 =	sadd.s32 @!p0 $0x100000, s0;
	[bflag:$0x2] =	sbarrier.arrive $0xFFFF  }
0x99: {  	[sflag:s0] =	ssyncadd.tile.s32 @!p0 $0x1;
	_ =	shalt  }
.Lfunc_end2:
_tile_overlayer_lowered:
.L_overlay_start_2:
0x9a: {  	(tag) =	ssettag $0x2  }
0x9b: {  	s0 =	rddreg [dreg:$0x0];
	s2 =	stileid.u32  }
0x9c: {  	s1 =	rddreg [dreg:$0x1];
	p0 =	sne.s32 s2, $0x0  }
0x9d: {  	s3 =	rddreg [dreg:$0x2];
	[bflag:$0x3] =	sbarrier.arrive $0xFFFF;
	s2 =	simm.s32 @!p0 $0x1C01  }
0x9e: {  	[timem:s3], [sflag:s2] =	dma.local @!p0 [hbm:s0], s1  }
0x9f: {  	s0 =	simm.s32 @!p0 $0x1  }
0xa0: {  	_ =	swait.ge @!p0 [sflag:s0], s1  }
0xa1: {  	s1 =	ssub.s32 @!p0 $0x0, s1;
	[sflag:s0] =	ssyncset.done @!p0 $0x0  }
0xa2: {  	[sflag:s0] =	ssyncadd.s32 @!p0 s1  }
0xa3: {  	[bflag:$0x3] =	sbarrier.arrive $0xFFFF  }
0xa4: {  	_ =	shalt  }

// kernel: kernel.13.cloned.1.call-start
scs
__scs_entry_jumppad:
0x0: {  	(pc) =	sbr.rel $0x88, $3  }
0x1: {  	(tag) =	ssettag $0x0;
	lr =	simm.s32 $0x1  }
0x2: {  	[smem:$0x3F8B] =	sst lr;
	_ =	strace $0xD0000000  }
0x3: {  	_ = 	snop  }
0x4: {  	_ = 	snop  }
0x5: {  	_ = 	snop  }
0x6: {  	_ = 	snop  }
0x7: {  	_ = 	snop  }
__scs_overlays_trampoline_lowered:
0x8: {  	[smem:$0x3F9A] =	sst s0  }
0x9: {  	[smem:$0x3F9B] =	sst s1  }
0xa: {  	[smem:$0x3F9C] =	sst s2  }
0xb: {  	[smem:$0x3F9D] =	sst s3  }
0xc: {  	[smem:$0x3F9E] =	sst s4  }
0xd: {  	[smem:$0x3F9F] =	sst s5  }
0xe: {  	[smem:$0x3FA0] =	sst s6  }
0xf: {  	[smem:$0x3FA1] =	sst s7  }
0x10: {  	[smem:$0x3FA2] =	sst s8  }
0x11: {  	[smem:$0x3FA3] =	sst s9;
	s0 =	simm.s32 @!p0 $0x0  }
0x12: {  	s1 =	sld [smem:$0x3F89];
	s0 =	simm.s32 @p0 $0x1  }
0x13: {  	[smem:$0x3FA4] =	sst s0;
	s0 =	simm.s32 @!p1 $0x0  }
0x14: {  	s2 =	sld [smem:$0x3F88];
	s0 =	simm.s32 @p1 $0x1  }
0x15: {  	[smem:$0x3FA5] =	sst s0;
	s0 =	simm.s32 @!p2 $0x0  }
0x16: {  	s3 =	sld [smem:$0x3FDB];
	s0 =	simm.s32 @p2 $0x1  }
0x17: {  	s4 =	simm.s32 $0x1BF5;
	[smem:$0x3FA7] =	sst s0  }
0x18: {  	s0 =	sld [smem:$0x3F8A];
	_ =	swait.ge [sflag:s4], $0x0  }
0x19: {  	s7 =	sld [smem:$0x3F8B]  }
0x1a: {  	s8 =	sadd.s32 $0xFFFFE003, lr  }
0x1b: {  	s9 =	sadd.s32 $0xFFFFFEF7, lr;
	s5 =	simm.s32 $0xFFFFFFFF;
	p2 =	slt.u32 s8, $0xFFFFF086  }
0x1c: {  	p1 =	slt.u32 s9, $0xF7A;
	s5 =	simm.s32 @!p2 $0x0  }
0x1d: {  	s5 =	simm.s32 @p1 $0x1;
	p0 =	seq.s32 s7, s2  }
0x1e: {  	s7 =	smul.u32 @!p0 $0xF7A, s2;
	p2 =	seq.s32 @!p0 s5, $0x0  }
0x1f: {  	s9 =	smul.u32 $0xF7A, s1;
	s8 =	simm.s32 @!p0 $0x1BF5;
	p2 =	por !p2, p0  }
0x20: {  	[sflag:s8] =	ssyncset.s32 @!p0 $0xFFFFF086;
	s6 =	sadd.s32 @!p0 s3, s7;
	s7 =	simm.s32 @!p0 $0x108  }
0x21: {  	s3 =	sadd.s32 s3, s9;
	s6 =	sadd.s32 @!p0 $0x88, s6;
	s7 =	simm.s32 @p2 $0x1082  }
0x22: {  	[simem:s7], [sflag:s8] =	dma.local @!p0 [hbm:s6], $0xF7A  }
0x23: {  	s9 =	sor.u32 $0xD0000000, s2;
	s6 =	simm.s32 $0x108;
	_ =	swait.ge @!p0 [sflag:s8], $0x0  }
0x24: {  	s3 =	sadd.s32 $0x88, s3;
	s6 =	simm.s32 @!p1 $0x1082;
	[sflag:s4] =	ssyncset.s32 $0xFFFFF086  }
0x25: {  	[simem:s6], [sflag:s4] =	dma.local [hbm:s3], $0xF7A  }
0x26: {  	[smem:$0x3F8B] =	sst s1;
	(tag) =	ssettag s2;
	_ =	strace s9  }
0x27: {  	s1 =	sld [smem:$0x3F9B]  }
0x28: {  	s2 =	sld [smem:$0x3F9C]  }
0x29: {  	s4 =	sld [smem:$0x3F9E]  }
0x2a: {  	p0 =	seq.s32 s5, $0x0;
	s5 =	sld [smem:$0x3F9F]  }
0x2b: {  	s6 =	sld [smem:$0x3FA0]  }
0x2c: {  	s7 =	sld [smem:$0x3FA1]  }
0x2d: {  	s3 =	simm.s32 $0x108;
	s8 =	sld [smem:$0x3FA2]  }
0x2e: {  	s3 =	simm.s32 @!p0 $0x1082;
	s9 =	sld [smem:$0x3FA3]  }
0x2f: {  	lr =	sadd.s32 s0, s3;
	s0 =	sld [smem:$0x3F9A]  }
0x30: {  	s3 =	sld [smem:$0x3F9D]  }
0x31: {  	[smem:$0x3FA6] =	sst s10  }
0x32: {  	s10 =	sld [smem:$0x3FA4];
	_ =	sdelay $0x3  }
0x33: {  	p0 =	seq.s32 s10, $0x1;
	s10 =	sld [smem:$0x3FA6];
	_ =	sdelay $0x3  }
0x34: {  	[smem:$0x3FA6] =	sst s10  }
0x35: {  	s10 =	sld [smem:$0x3FA5];
	_ =	sdelay $0x3  }
0x36: {  	p1 =	seq.s32 s10, $0x1;
	s10 =	sld [smem:$0x3FA6];
	_ =	sdelay $0x3  }
0x37: {  	[smem:$0x3FA6] =	sst s10  }
0x38: {  	s10 =	sld [smem:$0x3FA7]  }
0x39: {  	_ = 	snop;
	(pc) =	sbr.ind lr, $3  }
0x3a: {  	_ = 	snop  }
0x3b: {  	_ = 	snop  }
0x3c: {  	p2 =	seq.s32 s10, $0x1;
	s10 =	sld [smem:$0x3FA6]  }
0x3d: {  	_ =	shalt  }
0x3e: {  	_ =	shalt  }
0x3f: {  	_ =	shalt  }
0x40: {  	_ =	shalt  }
0x41: {  	_ =	shalt  }
0x42: {  	_ =	shalt  }
0x43: {  	_ =	shalt  }
0x44: {  	_ =	shalt  }
0x45: {  	_ =	shalt  }
0x46: {  	_ =	shalt  }
0x47: {  	_ =	shalt  }
0x48: {  	_ =	shalt  }
0x49: {  	_ =	shalt  }
0x4a: {  	_ =	shalt  }
0x4b: {  	_ =	shalt  }
0x4c: {  	_ =	shalt  }
0x4d: {  	_ =	shalt  }
0x4e: {  	_ =	shalt  }
0x4f: {  	_ =	shalt  }
0x50: {  	_ =	shalt  }
0x51: {  	_ =	shalt  }
0x52: {  	_ =	shalt  }
0x53: {  	_ =	shalt  }
0x54: {  	_ =	shalt  }
0x55: {  	_ =	shalt  }
0x56: {  	_ =	shalt  }
0x57: {  	_ =	shalt  }
0x58: {  	_ =	shalt  }
0x59: {  	_ =	shalt  }
0x5a: {  	_ =	shalt  }
0x5b: {  	_ =	shalt  }
0x5c: {  	_ =	shalt  }
0x5d: {  	_ =	shalt  }
0x5e: {  	_ =	shalt  }
0x5f: {  	_ =	shalt  }
0x60: {  	_ =	shalt  }
0x61: {  	_ =	shalt  }
0x62: {  	_ =	shalt  }
0x63: {  	_ =	shalt  }
0x64: {  	_ =	shalt  }
0x65: {  	_ =	shalt  }
0x66: {  	_ =	shalt  }
0x67: {  	_ =	shalt  }
0x68: {  	_ =	shalt  }
0x69: {  	_ =	shalt  }
0x6a: {  	_ =	shalt  }
0x6b: {  	_ =	shalt  }
0x6c: {  	_ =	shalt  }
0x6d: {  	_ =	shalt  }
0x6e: {  	_ =	shalt  }
0x6f: {  	_ =	shalt  }
0x70: {  	_ =	shalt  }
0x71: {  	_ =	shalt  }
0x72: {  	_ =	shalt  }
0x73: {  	_ =	shalt  }
0x74: {  	_ =	shalt  }
0x75: {  	_ =	shalt  }
0x76: {  	_ =	shalt  }
0x77: {  	_ =	shalt  }
0x78: {  	_ =	shalt  }
0x79: {  	_ =	shalt  }
0x7a: {  	_ =	shalt  }
0x7b: {  	_ =	shalt  }
0x7c: {  	_ =	shalt  }
0x7d: {  	_ =	shalt  }
0x7e: {  	_ =	shalt  }
0x7f: {  	_ =	shalt  }
0x80: {  	_ =	shalt  }
0x81: {  	_ =	shalt  }
0x82: {  	_ =	shalt  }
0x83: {  	_ =	shalt  }
0x84: {  	_ =	shalt  }
0x85: {  	_ =	shalt  }
0x86: {  	_ =	shalt  }
0x87: {  	_ =	shalt  }
.Lfunc_end0:
.L_simem_size_0:
called_computation.1_lowered:
.L_overlay_start_0:
0x88: {  	s2 =	sld [smem:$0x3FD9]  }
0x89: {  	s3 =	sld [smem:$0x3FFE];
	_ =	sdelay $0x1  }
0x8a: {  	s1 =	srdreg.scid  }
0x8b: {  	s0 =	sand.u32 $0x1, s1  }
0x8c: {  	s16 =	sshll.u32 s0, $0xA;
	s2 =	sadd.s32 s3, s2  }
0x8d: {  	s2 =	sadd.s32 s2, s16  }
0x8e: {  	[smem:$0x3FB2] =	sst s2  }
0x8f: {  	_ = 	snop  }
0x90: {  	(tm) =	ssettm $0x1  }
0x91: {  	s17 =	sld [smem:$0x3FFB];
	_ =	sdelay $0x3  }
0x92: {  	_ =	strace s17  }
0x93: {  	s2 =	sld [smem:$0x3FFC];
	_ =	sdelay $0x3  }
0x94: {  	_ =	strace s2  }
0x95: {  	s2 =	sld [smem:$0x3FFD];
	_ =	sdelay $0x3  }
0x96: {  	_ =	strace s2  }
0x97: {  	_ =	strace $0x8FFFFFFF  }
0x98: {  	s18 =	sld [smem:$0x3FDB];
	_ =	sdelay $0x1  }
0x99: {  	s19 =	simm.s32 $_scs_section_size  }
0x9a: {  	s4 =	simm.s32 $_size__tile_overlayer_lowered;
	s5 =	simm.s32 $_tile_overlayer_lowered  }
0x9b: {  	s22 =	simm.s32 $0x1BFF;
	s21 =	sshll.u32 s5, $0x1;
	s2 =	sadd.s32 s19, s18  }
0x9c: {  	s6 =	simm.s32 $0x0;
	s20 =	sshll.u32 s4, $0x1;
	s4 =	sadd.s32 s21, s2  }
0x9d: {  	[timem:s6], [sflag:s22] =	dma.local [hbm:s4], s20  }
0x9e: {  	_ =	swait.ge [sflag:s22], s20  }
0x9f: {  	s3 =	ssub.s32 $0x0, s20;
	[sflag:s22] =	ssyncset.done $0x0  }
0xa0: {  	[sflag:s22] =	ssyncadd.s32 s3;
	_ =	sdelay $0x1  }
0xa1: {  	s23 =	simm.s32 $0x1B8B  }
0xa2: {  	_ =	swait.ge [sflag:s23], $0x1  }
0xa3: {  	[sflag:s23] =	ssyncset.done $0x0  }
0xa4: {  	s25 =	simm.s32 $0x1B8E;
	s24 =	sld [smem:$0x3FFE];
	[sflag:s23] =	ssyncadd.s32 $0xFFFFFFFF  }
0xa5: {  	s26 =	simm.s32 $execute0_lowered;
	[smem:$0x3FD2] =	sst s25  }
0xa6: {  	s4 =	sshll.u32 s26, $0x1;
	_ =	strace $0x80000049;
	[dreg:$0x1] =	wrdreg $0xFFFFFFFF  }
0xa7: {  	s28 =	simm.s32 $_size_execute0_lowered;
	s2 =	sadd.s32 s2, s4;
	[dreg:$0x0] =	wrdreg $0x0  }
0xa8: {  	s4 =	sshll.u32 s28, $0x1;
	[dreg:$0x2] =	wrdreg s2  }
0xa9: {  	[dreg:$0x3] =	wrdreg s4  }
0xaa: {  	[dreg:$0x4] =	wrdreg $0xC0  }
0xab: {  	_ =	task [dreg:s6], $0x5FFFF  }
0xac: {  	[dreg:$0x1] =	wrdreg $0xFFFFFFFF  }
0xad: {  	[dreg:$0x0] =	wrdreg $0x60  }
0xae: {  	[dreg:$0x2] =	wrdreg s24  }
0xaf: {  	[dreg:$0x3] =	wrdreg $0x0  }
0xb0: {  	[dreg:$0x4] =	wrdreg $0x13C000  }
0xb1: {  	[dreg:$0x5] =	wrdreg $0x9  }
0xb2: {  	_ =	task.clear_ibuf [dreg:s6], $0x6FFFF;
	_ =	strace $0x90000049  }
0xb3: {  	s29 =	simm.s32 $0x9;
	_ =	strace $0x8000004B  }
0xb4: {  	_ =	swait.ge [sflag:s29], $0x1  }
0xb5: {  	[sflag:s29] =	ssyncadd.s32 $0xFFFFFFFF  }
0xb6: {  	_ =	strace $0x9000004B  }
0xb7: {  	_ =	sfence  }
0xb8: {  	s30 =	sld [smem:$0x0];
	_ =	sdelay $0x2  }
0xb9: {  	s31 =	sshll.u32 s1, $0xD;
	s1 =	sshrl.u32 s1, $0x2  }
0xba: {  	s3 =	sand.u32 $0x4000, s31;
	s1 =	sadd.s32 s1, s30  }
0xbb: {  	s0 =	sor.u32 s3, s0;
	s1 =	sshll.u32 s1, $0x11  }
0xbc: {  	s0 =	sor.u32 s1, s0  }
0xbd: {  	s0 =	sadd.s32 $0x8F2B, s0  }
0xbe: {  	[sflag:s0] =	ssyncadd.remote.s32 $0x1  }
0xbf: {  	_ =	sfence.sel $0xFFFF  }
0xc0: {  	[dreg:$0x0] =	wrdreg $0xFFFFFFFF;
	(pc) =	sbr.abs _section_cstart, $3  }
0xc1: {  	[dreg:$0x1] =	wrdreg $0xFFFFFFFF  }
0xc2: {  	_ =	task.clear_ibuf [dreg:s6], $0x2FFFF;
	_ =	strace $0x9FFFFFFF  }
0xc3: {  	(tm) =	ssettm $0x7FFFFFFF  }
tec
execute0_lowered:
.L_overlay_start_1:
0x0: {  	(tag) =	ssettag $0x1  }
0x1: {  	s10 =	rddreg [dreg:$0x0]  }
0x2: {  	s1 =	rddreg [dreg:$0x1]  }
0x3: {  	s2 =	rddreg [dreg:$0x2]  }
0x4: {  	s0 =	rddreg [dreg:$0x3];
	s4 =	simm.s32 $0x0;
	s3 =	stileid.u32  }
0x5: {  	s8 =	srdreg.scid;
	s21 =	simm.s32 $0x16400;
	s22 =	simm.s32 $0x80  }
0x6: {  	s23 =	simm.s32 $0x16480;
	s24 =	simm.s32 $0x1A480;
	s25 =	simm.s32 $0x1AC80  }
0x7: {  	s26 =	simm.s32 $0x1B480;
	[smem:$0x7FF] =	sst s4;
	s5 =	sadd.s32 $0x5200, s10  }
0x8: {  	s6 =	sadd.s32 $0x2C400, s10;
	s11 =	smul.u32 $0x13C00, s3;
	s7 =	sadd.s32 $0x31400, s10  }
0x9: {  	s12 =	smul.u32 $0x2780, s3;
	s13 =	sand.u32 $0x1, s8;
	s8 =	sadd.s32 $0x36400, s10  }
0xa: {  	s9 =	sadd.s32 $0x40600, s10;
	s31 =	sshll.u32 s3, $0x6;
	s14 =	smul.u32 $0x13C000, s13  }
0xb: {  	_ =	strace $0x8000004A;
	s17 =	smul.u32 $0x27800, s13;
	s18 =	ssub.s32 $0x2, s13  }
0xc: {  	s29 =	sshll.u32 s13, $0x4;
	s15 =	sshrl.u32 s11, $0x3;
	s16 =	sshrl.u32 s12, $0x3  }
0xd: {  	s19 =	sshrl.u32 s18, $0x1;
	s13 =	sor.u32 s3, s29;
	s30 =	sadd.s32 s11, s1  }
0xe: {  	s20 =	sadd.s32 s12, s2;
	s15 =	sadd.s32 s15, s10;
	s16 =	sadd.s32 s16, s10  }
0xf: {  	s14 =	sadd.s32 s11, s14;
	s17 =	sadd.s32 s12, s17;
	s18 =	ssub.s32 s18, s19  }
0x10: {  	s11 =	sor.u32 $0x1C01, s31;
	s13 =	smul.u32 $0x2880, s13;
	s19 =	sshrl.u32 s20, $0x3  }
0x11: {  	s20 =	simm.s32 $0x16380;
	s14 =	sshrl.u32 s14, $0x3;
	s17 =	sshrl.u32 s17, $0x3  }
0x12: {  	s12 =	sadd.s32 $0x72000, s16;
	s16 =	smax.u32 s18, $0x1;
	s18 =	simm.s32 $0x1  }
0x13: {  	s14 =	sadd.s32 s14, s10;
	s17 =	sadd.s32 s17, s10;
	s10 =	sadd.s32 $0x4A800, s15  }
0x14: {  	vm0 =	vmmov $0xff;
	s14 =	sadd.s32 $0x77000, s14;
	s15 =	sadd.s32 $0xC6000, s17;
	s17 =	sshrl.u32 s30, $0x3  }
.LBB2_1:
0x15: {  	[spmem:s17], [sflag:s11] =	dma.local [hbm:s10], $0x2780  }
0x16: {  	_ =	swait.ge [sflag:s18], $0x2780  }
0x17: {  	[sflag:s18] =	ssyncset.done $0x0  }
0x18: {  	[sflag:s18] =	ssyncadd.s32 $0xFFFFD880  }
0x19: {  	[spmem:s19], [sflag:s11] =	dma.local [hbm:s12], $0x4F0  }
0x1a: {  	_ =	swait.ge [sflag:s18], $0x4F0  }
0x1b: {  	[sflag:s18] =	ssyncset.done $0x0  }
0x1c: {  	[sflag:s18] =	ssyncadd.s32 $0xFFFFFB10  }
0x1d: {  	s28 =	simm.s32 $0x0;
	[bflag:$0x0] =	sbarrier.arrive $0xFFFF  }
.LBB2_2:
0x1e: {  	s29 =	sshll.u32 s28, $0x7  }
0x1f: {  	s29 =	sadd.s32 s13, s29  }
0x20: {  	s29 =	sshrl.u32 s29, $0x3  }
0x21: {  	s31 =	simm.s32 $0x0;
	s30 =	sadd.s32 s8, s29  }
0x22: {  	[tilespmem:s20], [sflag:$0x1] =	stream.linear.gather [hbm4b:s30+s31], $0x80, $0x38;
	[tilespmem:$0x1BC80] =	vst v63  }
0x23: {  	_ =	swait.ge [sflag:s18], $0x80  }
0x24: {  	[sflag:s18] =	ssyncset.done $0x0  }
0x25: {  	s29 =	sadd.s32 s9, s29;
	[sflag:s18] =	ssyncadd.s32 $0xFFFFFF80  }
0x26: {  	[tilespmem:s21], [sflag:$0x1] =	stream.linear.gather [hbm4b:s29+s31], $0x80, $0x38;
	[tilespmem:$0x1BC80] =	vst v63  }
0x27: {  	_ =	swait.ge [sflag:s18], $0x80  }
0x28: {  	[sflag:s18] =	ssyncset.done $0x0  }
0x29: {  	[sflag:s18] =	ssyncadd.s32 $0xFFFFFF80  }
0x2a: {  	[tilespmem:s23], [sflag:$0x1] =	stream.indirect.gather [hbm4b:s5+s22], $0x80, s20, s22, $0xb8;
	[tilespmem:$0x1BC80] =	vst v63  }
0x2b: {  	_ =	swait.ge [sflag:s18], $0x4000  }
0x2c: {  	[sflag:s18] =	ssyncset.done $0x0  }
0x2d: {  	[sflag:s18] =	ssyncadd.s32 $0xFFFFC000  }
0x2e: {  	[tilespmem:s24], [sflag:$0x1] =	stream.indirect.gather [hbm4b:s6+s22], $0x10, s20, s22, $0xb8;
	[tilespmem:$0x1BC80] =	vst v63  }
0x2f: {  	_ =	swait.ge [sflag:s18], $0x800  }
0x30: {  	[sflag:s18] =	ssyncset.done $0x0  }
0x31: {  	[sflag:s18] =	ssyncadd.s32 $0xFFFFF800  }
0x32: {  	[tilespmem:s25], [sflag:$0x1] =	stream.indirect.gather [hbm4b:s7+s22], $0x10, s21, s22, $0xb8;
	[tilespmem:$0x1BC80] =	vst v63  }
0x33: {  	_ =	swait.ge [sflag:s18], $0x800  }
0x34: {  	[sflag:s18] =	ssyncset.done $0x0  }
0x35: {  	s30 =	simm.s32 $0x0;
	[sflag:s18] =	ssyncadd.s32 $0xFFFFF800  }
0x36: {  	v0 =	vld [tilespmem:s30+$0x1AC80]  }
0x37: {  	v1 =	vld [tilespmem:s30+$0x1A480];
	_ =	sdelay $0x4  }
0x38: {  	v0 =	vadd.f32 v0, v1;
	_ =	sdelay $0x1  }
0x39: {  	v1 =	vmul.f32 $2.000000030e-01, v0  }
0x3a: {  	vm1 =	vge.f32 v0, $0.0e+00  }
0x3b: {  	v0 =	vsel vm1, v0, v1  }
0x3c: {  	v0 =	vmul.f32 $1.442695020e+00, v0;
	_ =	sdelay $0x1  }
0x3d: {  	(erf) = vpow2.f32 v0;
	_ =	sdelay $0x8  }
0x3e: {  	v0 =	vpop (erf)  }
0x3f: {  	v1 =	vnsel vm0, $0x0, v0  }
0x40: {  	s29 =	simm.s32 $0x164C0;
	[tilespmem:s30+$0x1B480] =	vst v1  }
0x41: {  	v1 =	vld [tilespmem:s29+$0x30]  }
0x42: {  	v2 =	vld [tilespmem:s29+$0x20]  }
0x43: {  	v3 =	vld [tilespmem:s29+$0x10]  }
0x44: {  	v4 =	vbroadcast v0, $0x7;
	v5 =	vld [tilespmem:s29+$0x0]  }
0x45: {  	v6 =	vbroadcast v0, $0x6;
	v7 =	vld [tilespmem:s29+$0xFFFFFFF0]  }
0x46: {  	v8 =	vbroadcast v0, $0x5;
	v9 =	vld [tilespmem:s29+$0xFFFFFFE0];
	v1 =	vmul.f32 v1, v4  }
0x47: {  	v61 =	vbroadcast v0, $0x4;
	v10 =	vld [tilespmem:s29+$0xFFFFFFD0];
	v2 =	vmul.f32 v2, v6  }
0x48: {  	v62 =	vbroadcast v0, $0x3;
	v11 =	vld [tilespmem:s29+$0xFFFFFFC0];
	v3 =	vmul.f32 v3, v8;
	[tilespmem:s29+$0x30] =	vst v1  }
0x49: {  	v4 =	vmul.f32 v5, v61;
	v1 =	vbroadcast v0, $0x2;
	[tilespmem:s29+$0x20] =	vst v2  }
0x4a: {  	v63 =	vmul.f32 v7, v62;
	v2 =	vbroadcast v0, $0x1;
	[tilespmem:s29+$0x10] =	vst v3  }
0x4b: {  	v0 =	vbroadcast v0, $0x0;
	[tilespmem:s29+$0x0] =	vst v4;
	v1 =	vmul.f32 v1, v9  }
0x4c: {  	[tilespmem:s29+$0xFFFFFFF0] =	vst v63;
	v2 =	vmul.f32 v2, v10  }
0x4d: {  	v0 =	vmul.f32 v0, v11;
	[tilespmem:s29+$0xFFFFFFE0] =	vst v1  }
0x4e: {  	[tilespmem:s29+$0xFFFFFFD0] =	vst v2  }
0x4f: {  	s31 =	simm.s32 $0x10;
	[tilespmem:s29+$0xFFFFFFC0] =	vst v0  }
0x50: {  	s30 =	simm.s32 $0x80;
	v0 =	vld [tilespmem:s31+$0x1AC80]  }
.LBB2_3:
0x51: {  	p0 =	sne.s32 s30, $0x1FC0;
	v1 =	vld [tilespmem:s31+$0x1A480];
	_ =	sdelay $0x4  }
0x52: {  	v0 =	vadd.f32 v0, v1;
	_ =	sdelay $0x1  }
0x53: {  	v1 =	vmul.f32 $2.000000030e-01, v0  }
0x54: {  	vm1 =	vge.f32 v0, $0.0e+00  }
0x55: {  	v0 =	vsel vm1, v0, v1  }
0x56: {  	v0 =	vmul.f32 $1.442695020e+00, v0;
	_ =	sdelay $0x1  }
0x57: {  	(erf) = vpow2.f32 v0;
	_ =	sdelay $0x8  }
0x58: {  	v0 =	vpop (erf)  }
0x59: {  	v1 =	vnsel vm0, $0x0, v0;
	v2 =	vbroadcast v0, $0x6;
	v3 =	vbroadcast v0, $0x7  }
0x5a: {  	s29 =	sadd.s32 $0x80, s29;
	v4 =	vbroadcast v0, $0x5;
	[tilespmem:s31+$0x1B480] =	vst v1;
	v1 =	vbroadcast v0, $0x4  }
0x5b: {  	v5 =	vbroadcast v0, $0x2;
	v6 =	vbroadcast v0, $0x3;
	v7 =	vld [tilespmem:s29+$0x30]  }
0x5c: {  	v8 =	vbroadcast v0, $0x0;
	v0 =	vbroadcast v0, $0x1;
	v9 =	vld [tilespmem:s29+$0x20]  }
0x5d: {  	v10 =	vld [tilespmem:s29+$0x10]  }
0x5e: {  	v11 =	vld [tilespmem:s29+$0x0]  }
0x5f: {  	v12 =	vld [tilespmem:s29+$0xFFFFFFF0]  }
0x60: {  	v13 =	vld [tilespmem:s29+$0xFFFFFFE0];
	v3 =	vmul.f32 v7, v3  }
0x61: {  	v7 =	vld [tilespmem:s29+$0xFFFFFFD0];
	v2 =	vmul.f32 v9, v2  }
0x62: {  	v9 =	vld [tilespmem:s29+$0xFFFFFFC0];
	v4 =	vmul.f32 v10, v4;
	[tilespmem:s29+$0x30] =	vst v3  }
0x63: {  	v1 =	vmul.f32 v11, v1;
	[tilespmem:s29+$0x20] =	vst v2  }
0x64: {  	v2 =	vmul.f32 v12, v6;
	[tilespmem:s29+$0x10] =	vst v4  }
0x65: {  	v3 =	vmul.f32 v5, v13;
	[tilespmem:s29+$0x0] =	vst v1  }
.Ltmp0:
0x66: {  	v0 =	vmul.f32 v0, v7;
	[tilespmem:s29+$0xFFFFFFF0] =	vst v2;
	(pc) =	sbr.rel @p0 .LBB2_3-.Ltmp0, $4  }
0x67: {  	v1 =	vmul.f32 v8, v9;
	[tilespmem:s29+$0xFFFFFFE0] =	vst v3  }
0x68: {  	[tilespmem:s29+$0xFFFFFFD0] =	vst v0  }
0x69: {  	s31 =	sshra.s32 s30, $0x2;
	[tilespmem:s29+$0xFFFFFFC0] =	vst v1  }
0x6a: {  	s30 =	sadd.s32 $0x40, s30;
	v0 =	vld [tilespmem:s31+$0x1AC80]  }
0x6b: {  	v1 =	vld [tilespmem:s31+$0x1A480];
	_ =	sdelay $0x4  }
0x6c: {  	v0 =	vadd.f32 v0, v1;
	_ =	sdelay $0x1  }
0x6d: {  	v1 =	vmul.f32 $2.000000030e-01, v0  }
0x6e: {  	vm1 =	vge.f32 v0, $0.0e+00  }
0x6f: {  	v0 =	vsel vm1, v0, v1  }
0x70: {  	v0 =	vmul.f32 $1.442695020e+00, v0;
	_ =	sdelay $0x1  }
0x71: {  	(erf) = vpow2.f32 v0;
	_ =	sdelay $0x8  }
0x72: {  	v0 =	vpop (erf)  }
0x73: {  	v58 =	vnsel vm0, $0x0, v0  }
0x74: {  	s29 =	sadd.s32 $0x80, s29;
	[tilespmem:s31+$0x1B480] =	vst v58  }
0x75: {  	v1 =	vld [tilespmem:s29+$0x30]  }
0x76: {  	v2 =	vld [tilespmem:s29+$0x20]  }
0x77: {  	v3 =	vld [tilespmem:s29+$0x10]  }
0x78: {  	v4 =	vbroadcast v0, $0x7;
	v6 =	vbroadcast v0, $0x6;
	v5 =	vld [tilespmem:s29+$0x0]  }
0x79: {  	v8 =	vbroadcast v0, $0x5;
	v59 =	vbroadcast v0, $0x4;
	v7 =	vld [tilespmem:s29+$0xFFFFFFF0]  }
0x7a: {  	v60 =	vbroadcast v0, $0x3;
	v11 =	vld [tilespmem:s29+$0xFFFFFFC0];
	v1 =	vmul.f32 v1, v4  }
0x7b: {  	v61 =	vbroadcast v0, $0x2;
	v9 =	vld [tilespmem:s29+$0xFFFFFFE0];
	v2 =	vmul.f32 v2, v6  }
0x7c: {  	v62 =	vbroadcast v0, $0x1;
	v10 =	vld [tilespmem:s29+$0xFFFFFFD0];
	v3 =	vmul.f32 v3, v8;
	[tilespmem:s29+$0x30] =	vst v1  }
0x7d: {  	v0 =	vbroadcast v0, $0x0;
	v4 =	vmul.f32 v5, v59;
	[tilespmem:s29+$0x20] =	vst v2  }
0x7e: {  	v63 =	vmul.f32 v7, v60;
	[tilespmem:s29+$0x10] =	vst v3  }
0x7f: {  	v0 =	vmul.f32 v0, v11;
	[tilespmem:s29+$0x0] =	vst v4  }
0x80: {  	v1 =	vmul.f32 v61, v9;
	[tilespmem:s29+$0xFFFFFFF0] =	vst v63  }
0x81: {  	v2 =	vmul.f32 v62, v10;
	[tilespmem:s29+$0xFFFFFFC0] =	vst v0  }
0x82: {  	[tilespmem:s29+$0xFFFFFFE0] =	vst v1  }
0x83: {  	[tilespmem:s29+$0xFFFFFFD0] =	vst v2  }
0x84: {  	[spmem:s1] =	stream.indirect.scatter.add.f32 [tilespmem:s23], [sflag:$0x1], $0x80, s21, s22, $0xb8;
	[tilespmem:$0x1BC80] =	vst v63  }
0x85: {  	s28 =	sadd.s32 $0x1, s28;
	_ =	swait.ge [sflag:s18], $0x4000  }
0x86: {  	p0 =	sne.s32 s28, $0x51;
	[sflag:s18] =	ssyncset.done $0x0  }
.Ltmp1:
0x87: {  	[sflag:s18] =	ssyncadd.s32 $0xFFFFC000;
	(pc) =	sbr.rel @p0 .LBB2_2-.Ltmp1, $4  }
0x88: {  	[spmem:s2] =	stream.indirect.scatter.add.f32 [tilespmem:s26], [sflag:$0x1], $0x10, s21, s22, $0xb8;
	[tilespmem:$0x1BC80] =	vst v63  }
0x89: {  	_ =	swait.ge [sflag:s18], $0x800  }
0x8a: {  	[sflag:s18] =	ssyncset.done $0x0  }
0x8b: {  	[sflag:s18] =	ssyncadd.s32 $0xFFFFF800  }
0x8c: {  	[bflag:$0x0] =	sbarrier.arrive $0xFFFF  }
0x8d: {  	[hbm:s14], [sflag:s11] =	dma.local [spmem:s17], $0x2780  }
0x8e: {  	s4 =	sadd.s32 $0x1, s4;
	_ =	swait.ge [sflag:s18], $0x2780  }
0x8f: {  	p0 =	sne.s32 s4, s16;
	[sflag:s18] =	ssyncset.done $0x0  }
.Ltmp2:
0x90: {  	[sflag:s18] =	ssyncadd.s32 $0xFFFFD880;
	(pc) =	sbr.rel @p0 .LBB2_1-.Ltmp2, $4  }
0x91: {  	[hbm:s15], [sflag:s11] =	dma.local [spmem:s19], $0x4F0  }
0x92: {  	_ =	swait.ge [sflag:s18], $0x4F0  }
0x93: {  	[sflag:s18] =	ssyncset.done $0x0  }
0x94: {  	[sflag:s18] =	ssyncadd.s32 $0xFFFFFB10  }
0x95: {  	_ =	sfence.sel $0x180000  }
0x96: {  	[bflag:$0x0] =	sbarrier.arrive $0xFFFF  }
0x97: {  	p0 =	sne.s32 s3, $0x0;
	_ =	strace $0x9000004A  }
0x98: {  	s0 =	sadd.s32 @!p0 $0x100000, s0;
	[bflag:$0x2] =	sbarrier.arrive $0xFFFF  }
0x99: {  	[sflag:s0] =	ssyncadd.tile.s32 @!p0 $0x1;
	_ =	shalt  }
.Lfunc_end2:
_tile_overlayer_lowered:
.L_overlay_start_2:
0x9a: {  	(tag) =	ssettag $0x2  }
0x9b: {  	s0 =	rddreg [dreg:$0x0];
	s2 =	stileid.u32  }
0x9c: {  	s1 =	rddreg [dreg:$0x1];
	p0 =	sne.s32 s2, $0x0  }
0x9d: {  	s3 =	rddreg [dreg:$0x2];
	[bflag:$0x3] =	sbarrier.arrive $0xFFFF;
	s2 =	simm.s32 @!p0 $0x1C01  }
0x9e: {  	[timem:s3], [sflag:s2] =	dma.local @!p0 [hbm:s0], s1  }
0x9f: {  	s0 =	simm.s32 @!p0 $0x1  }
0xa0: {  	_ =	swait.ge @!p0 [sflag:s0], s1  }
0xa1: {  	s1 =	ssub.s32 @!p0 $0x0, s1;
	[sflag:s0] =	ssyncset.done @!p0 $0x0  }
0xa2: {  	[sflag:s0] =	ssyncadd.s32 @!p0 s1  }
0xa3: {  	[bflag:$0x3] =	sbarrier.arrive $0xFFFF  }
0xa4: {  	_ =	shalt  }

</sc_bundles>
